<compile_context>
chip_gen: v7x
topology: tpu7x:2x2x1
jax: 0.10.2.dev20260603
libtpu: 0.0.44.dev20260713+nightly
codegen_flags: <defaults>
</compile_context>

<pallas_src>
import functools

import jax
import jax.numpy as jnp
from jax import lax
from jax.experimental import pallas as pl
from jax.experimental.pallas import tpu as pltpu
from jax.experimental.pallas import tpu_sc as plsc

_ALPHA = 4


_FAST_TB = 16


def _fast_copy_body(src, dst, *rest):
    C, T = src.shape[0], src.shape[1]
    npc = T // _FAST_TB
    n = C * npc
    bufs, gsem, ssem = rest[:n], rest[n], rest[n + 1]
    gathers = []
    for k in range(n):
        c, t = k // npc, k % npc
        rows = pl.ds(t * _FAST_TB, _FAST_TB)
        cp = pltpu.make_async_copy(src.at[c, rows], bufs[k], gsem.at[k])
        cp.start()
        gathers.append((cp, c, rows))
    scatters = []
    for k, (cp, c, rows) in enumerate(gathers):
        cp.wait()
        s = pltpu.make_async_copy(bufs[k], dst.at[c, rows], ssem.at[k])
        s.start()
        scatters.append(s)
    for s in scatters:
        s.wait()


def _fast_copy(frames):
    C, T, H, W = frames.shape
    n = C * (T // _FAST_TB)
    return pl.pallas_call(
        _fast_copy_body,
        out_shape=jax.ShapeDtypeStruct(frames.shape, frames.dtype),
        in_specs=[pl.BlockSpec(memory_space=pl.ANY)],
        out_specs=pl.BlockSpec(memory_space=pl.ANY),
        scratch_shapes=(
            [pltpu.VMEM((_FAST_TB, H, W), jnp.float32) for _ in range(n)]
            + [pltpu.SemaphoreType.DMA((n,)), pltpu.SemaphoreType.DMA((n,))]
        ),
    )(frames)


def kernel(frames):
    C, T, H, W = frames.shape
    TS = T // _ALPHA
    NSLICES = C * TS
    CHUNKS = 4
    RB = H // CHUNKS

    info = plsc.get_sparse_core_info()
    NC, NS = info.num_cores, info.num_subcores
    NW = NC * NS
    NTASK = NSLICES * CHUNKS
    TPW = NTASK // NW

    mesh = plsc.VectorSubcoreMesh(core_axis_name="c", subcore_axis_name="s")

    @functools.partial(
        pl.kernel,
        mesh=mesh,
        out_type=jax.ShapeDtypeStruct((C, TS, H, W), jnp.float32),
        scratch_types=[
            pltpu.VMEM((RB, W), jnp.float32),
            pltpu.VMEM((RB, W), jnp.float32),
            pltpu.VMEM((RB, W), jnp.float32),
            pltpu.SemaphoreType.DMA((3,)),
            pltpu.SemaphoreType.DMA((3,)),
        ],
        compiler_params=pltpu.CompilerParams(use_tc_tiling_on_sc=True),
    )
    def gather_slices(src_hbm, out_hbm, buf0, buf1, buf2, gsem, ssem):
        wid = lax.axis_index("s") * NC + lax.axis_index("c")
        bufs = (buf0, buf1, buf2)

        def task_refs(k):
            task = wid * TPW + k
            sl = task // CHUNKS
            q = task % CHUNKS
            c = sl // TS
            t = sl % TS
            t_src = (t * (T - 1)) // (TS - 1)
            rows = pl.ds(q * RB, RB)
            return (src_hbm.at[c, t_src, rows, :],
                    out_hbm.at[c, t, rows, :])

        gathers = []
        for k in range(TPW):
            src_ref, dst_ref = task_refs(k)
            cp = pltpu.async_copy(src_ref, bufs[k], gsem.at[k])
            gathers.append((cp, dst_ref))
        scatters = []
        for k, (cp, dst_ref) in enumerate(gathers):
            cp.wait()
            scatters.append(pltpu.async_copy(bufs[k], dst_ref, ssem.at[k]))
        for s in scatters:
            s.wait()

    slow = gather_slices(frames)
    fast = _fast_copy(frames)
    return (slow, fast)

# --- scband reference (transcript-rebuilt; emitter-appended) ---
"""Pipeline reference for scband-pack-pathway-19945828123183 (READ-ONLY COPY).

The authoritative reference and input builder live on the scoring server;
editing this copy changes nothing except your own understanding.
"""

import jax, jax.numpy as jnp
import numpy as np

alpha = 4

def setup_inputs(seed: int = 0) -> dict:
    key = jax.random.key(seed)
    frames = jax.random.normal(key, (3, 32, 256, 256), dtype=jnp.float32)
    return {"frames": frames}

def reference(frames):
    T = frames.shape[1]
    # torch.linspace(0, T-1, T//alpha).long() -> truncation toward zero
    idx = jnp.linspace(0.0, float(T - 1), T // alpha).astype(jnp.int32)
    slow_pathway = jnp.take(frames, idx, axis=1)
    fast_pathway = frames
    return (slow_pathway, fast_pathway)

if __name__ == "__main__":
    import jax
    _d = setup_inputs()
    print(jax.jit(kernel)(*tuple(_d.values())))

</pallas_src>

<mosaic_0001>
#map = affine_map<(d0, d1) -> (0, 0, 0, 0)>
module attributes {stable_mosaic.version = 14 : i64} {
  func.func @gather_slices(%arg0: i32, %arg1: i32, %arg2: memref<3x32x256x256xf32, #tpu.memory_space<hbm>>, %arg3: memref<3x8x256x256xf32, #tpu.memory_space<hbm>>, %arg4: memref<64x256xf32, #tpu.memory_space<vmem>>, %arg5: memref<64x256xf32, #tpu.memory_space<vmem>>, %arg6: memref<64x256xf32, #tpu.memory_space<vmem>>, %arg7: memref<3x!tpu.dma_semaphore, #tpu.memory_space<semaphore_mem>>, %arg8: memref<3x!tpu.dma_semaphore, #tpu.memory_space<semaphore_mem>>) attributes {dimension_semantics = [#tpu.dimension_semantics<core_parallel>, #tpu.dimension_semantics<subcore_parallel>], iteration_bounds = array<i64: 2, 16>, scalar_prefetch = 0 : i64, scratch_operands = 5 : i64, tpu.core_type = #tpu.core_type<sc_vector_subcore>, window_params = [{transform_indices = #map}, {transform_indices = #map}]} {
    %mul3A = arith.constant 2 : i32
    %mul3A_0 = arith.muli %arg1, %mul3A : i32
    %add3A = arith.addi %mul3A_0, %arg0 : i32
    %mul3A_1 = arith.constant 3 : i32
    %mul3A_2 = arith.muli %add3A, %mul3A_1 : i32
    %add3A_3 = arith.constant 0 : i32
    %add3A_4 = arith.addi %mul3A_2, %add3A_3 : i32
    %jit3A = arith.constant 4 : i32
    %div3A = arith.divsi %add3A_4, %jit3A : i32
    %sign3A = arith.constant 0 : i32
    %sign3A_5 = arith.cmpi sgt, %add3A_4, %sign3A : i32
    %sign3A_6 = arith.extui %sign3A_5 : i1 to i32
    %sign3A_7 = arith.constant 0 : i32
    %sign3A_8 = arith.cmpi slt, %add3A_4, %sign3A_7 : i32
    %sign3A_9 = arith.extui %sign3A_8 : i1 to i32
    %sign3A_10 = arith.subi %sign3A_6, %sign3A_9 : i32
    %sign3A_11 = arith.constant 0 : i32
    %sign3A_12 = arith.cmpi sgt, %jit3A, %sign3A_11 : i32
    %sign3A_13 = arith.extui %sign3A_12 : i1 to i32
    %sign3A_14 = arith.constant 0 : i32
    %sign3A_15 = arith.cmpi slt, %jit3A, %sign3A_14 : i32
    %sign3A_16 = arith.extui %sign3A_15 : i1 to i32
    %sign3A_17 = arith.subi %sign3A_13, %sign3A_16 : i32
    %ne3A = arith.cmpi ne, %sign3A_10, %sign3A_17 : i32
    %rem3A = arith.remsi %add3A_4, %jit3A : i32
    %ne3A_18 = arith.constant 0 : i32
    %ne3A_19 = arith.cmpi ne, %rem3A, %ne3A_18 : i32
    %and3A = arith.andi %ne3A, %ne3A_19 : i1
    %sub3A = arith.constant 1 : i32
    %sub3A_20 = arith.subi %div3A, %sub3A : i32
    %select_n3A = arith.select %and3A, %sub3A_20, %div3A : i32
    %jit3A_21 = arith.constant 4 : i32
    %eq3A = arith.constant 0 : i32
    %eq3A_22 = arith.cmpi eq, %jit3A_21, %eq3A : i32
    %jit3A_23 = arith.constant 1 : i32
    %select_n3A_24 = arith.select %eq3A_22, %jit3A_23, %jit3A_21 : i32
    %rem3A_25 = arith.remsi %add3A_4, %select_n3A_24 : i32
    %ne3A_26 = arith.constant 0 : i32
    %ne3A_27 = arith.cmpi ne, %rem3A_25, %ne3A_26 : i32
    %lt3A = arith.constant 0 : i32
    %lt3A_28 = arith.cmpi slt, %rem3A_25, %lt3A : i32
    %lt3A_29 = arith.constant 0 : i32
    %lt3A_30 = arith.cmpi slt, %select_n3A_24, %lt3A_29 : i32
    %ne3A_31 = arith.xori %lt3A_28, %lt3A_30 : i1
    %and3A_32 = arith.andi %ne3A_31, %ne3A_27 : i1
    %add3A_33 = arith.addi %rem3A_25, %select_n3A_24 : i32
    %select_n3A_34 = arith.select %and3A_32, %add3A_33, %rem3A_25 : i32
    %jit3A_35 = arith.constant 8 : i32
    %div3A_36 = arith.divsi %select_n3A, %jit3A_35 : i32
    %sign3A_37 = arith.constant 0 : i32
    %sign3A_38 = arith.cmpi sgt, %select_n3A, %sign3A_37 : i32
    %sign3A_39 = arith.extui %sign3A_38 : i1 to i32
    %sign3A_40 = arith.constant 0 : i32
    %sign3A_41 = arith.cmpi slt, %select_n3A, %sign3A_40 : i32
    %sign3A_42 = arith.extui %sign3A_41 : i1 to i32
    %sign3A_43 = arith.subi %sign3A_39, %sign3A_42 : i32
    %sign3A_44 = arith.constant 0 : i32
    %sign3A_45 = arith.cmpi sgt, %jit3A_35, %sign3A_44 : i32
    %sign3A_46 = arith.extui %sign3A_45 : i1 to i32
    %sign3A_47 = arith.constant 0 : i32
    %sign3A_48 = arith.cmpi slt, %jit3A_35, %sign3A_47 : i32
    %sign3A_49 = arith.extui %sign3A_48 : i1 to i32
    %sign3A_50 = arith.subi %sign3A_46, %sign3A_49 : i32
    %ne3A_51 = arith.cmpi ne, %sign3A_43, %sign3A_50 : i32
    %rem3A_52 = arith.remsi %select_n3A, %jit3A_35 : i32
    %ne3A_53 = arith.constant 0 : i32
    %ne3A_54 = arith.cmpi ne, %rem3A_52, %ne3A_53 : i32
    %and3A_55 = arith.andi %ne3A_51, %ne3A_54 : i1
    %sub3A_56 = arith.constant 1 : i32
    %sub3A_57 = arith.subi %div3A_36, %sub3A_56 : i32
    %select_n3A_58 = arith.select %and3A_55, %sub3A_57, %div3A_36 : i32
    %jit3A_59 = arith.constant 8 : i32
    %eq3A_60 = arith.constant 0 : i32
    %eq3A_61 = arith.cmpi eq, %jit3A_59, %eq3A_60 : i32
    %jit3A_62 = arith.constant 1 : i32
    %select_n3A_63 = arith.select %eq3A_61, %jit3A_62, %jit3A_59 : i32
    %rem3A_64 = arith.remsi %select_n3A, %select_n3A_63 : i32
    %ne3A_65 = arith.constant 0 : i32
    %ne3A_66 = arith.cmpi ne, %rem3A_64, %ne3A_65 : i32
    %lt3A_67 = arith.constant 0 : i32
    %lt3A_68 = arith.cmpi slt, %rem3A_64, %lt3A_67 : i32
    %lt3A_69 = arith.constant 0 : i32
    %lt3A_70 = arith.cmpi slt, %select_n3A_63, %lt3A_69 : i32
    %ne3A_71 = arith.xori %lt3A_68, %lt3A_70 : i1
    %and3A_72 = arith.andi %ne3A_71, %ne3A_66 : i1
    %add3A_73 = arith.addi %rem3A_64, %select_n3A_63 : i32
    %select_n3A_74 = arith.select %and3A_72, %add3A_73, %rem3A_64 : i32
    %mul3A_75 = arith.constant 31 : i32
    %mul3A_76 = arith.muli %select_n3A_74, %mul3A_75 : i32
    %jit3A_77 = arith.constant 7 : i32
    %div3A_78 = arith.divsi %mul3A_76, %jit3A_77 : i32
    %sign3A_79 = arith.constant 0 : i32
    %sign3A_80 = arith.cmpi sgt, %mul3A_76, %sign3A_79 : i32
    %sign3A_81 = arith.extui %sign3A_80 : i1 to i32
    %sign3A_82 = arith.constant 0 : i32
    %sign3A_83 = arith.cmpi slt, %mul3A_76, %sign3A_82 : i32
    %sign3A_84 = arith.extui %sign3A_83 : i1 to i32
    %sign3A_85 = arith.subi %sign3A_81, %sign3A_84 : i32
    %sign3A_86 = arith.constant 0 : i32
    %sign3A_87 = arith.cmpi sgt, %jit3A_77, %sign3A_86 : i32
    %sign3A_88 = arith.extui %sign3A_87 : i1 to i32
    %sign3A_89 = arith.constant 0 : i32
    %sign3A_90 = arith.cmpi slt, %jit3A_77, %sign3A_89 : i32
    %sign3A_91 = arith.extui %sign3A_90 : i1 to i32
    %sign3A_92 = arith.subi %sign3A_88, %sign3A_91 : i32
    %ne3A_93 = arith.cmpi ne, %sign3A_85, %sign3A_92 : i32
    %rem3A_94 = arith.remsi %mul3A_76, %jit3A_77 : i32
    %ne3A_95 = arith.constant 0 : i32
    %ne3A_96 = arith.cmpi ne, %rem3A_94, %ne3A_95 : i32
    %and3A_97 = arith.andi %ne3A_93, %ne3A_96 : i1
    %sub3A_98 = arith.constant 1 : i32
    %sub3A_99 = arith.subi %div3A_78, %sub3A_98 : i32
    %select_n3A_100 = arith.select %and3A_97, %sub3A_99, %div3A_78 : i32
    %mul3A_101 = arith.constant 64 : i32
    %mul3A_102 = arith.muli %select_n3A_34, %mul3A_101 : i32
    %dma_start3A = arith.constant 0 : i32
    %dma_start3A_103 = arith.constant 0 : i32
    %dma_start3A_104 = tpu.memref_slice %arg2[%select_n3A_58, %select_n3A_100, %mul3A_102, %dma_start3A_103] : memref<3x32x256x256xf32, #tpu.memory_space<hbm>> -> memref<1x1x64x256xf32, #tpu.memory_space<hbm>>
    %dma_start3A_105 = tpu.memref_squeeze %dma_start3A_104 : memref<1x1x64x256xf32, #tpu.memory_space<hbm>> -> memref<64x256xf32, #tpu.memory_space<hbm>>
    %dma_start3A_106 = tpu.memref_slice %arg7[%dma_start3A] : memref<3x!tpu.dma_semaphore, #tpu.memory_space<semaphore_mem>> -> memref<1x!tpu.dma_semaphore, #tpu.memory_space<semaphore_mem>>
    %dma_start3A_107 = tpu.memref_squeeze %dma_start3A_106 : memref<1x!tpu.dma_semaphore, #tpu.memory_space<semaphore_mem>> -> memref<!tpu.dma_semaphore, #tpu.memory_space<semaphore_mem>>
    %dma_start3A_108 = arith.constant 0 : i32
    %dma_start3A_109 = tpu.memref_slice %arg2[%select_n3A_58, %select_n3A_100, %mul3A_102, %dma_start3A_108] : memref<3x32x256x256xf32, #tpu.memory_space<hbm>> -> memref<1x1x64x256xf32, #tpu.memory_space<hbm>>
    %dma_start3A_110 = tpu.memref_squeeze %dma_start3A_109 : memref<1x1x64x256xf32, #tpu.memory_space<hbm>> -> memref<64x256xf32, #tpu.memory_space<hbm>>
    tpu.enqueue_dma source(%dma_start3A_110 : memref<64x256xf32, #tpu.memory_space<hbm>>) target(%arg4 : memref<64x256xf32, #tpu.memory_space<vmem>>) target_semaphore(%dma_start3A_107 : memref<!tpu.dma_semaphore, #tpu.memory_space<semaphore_mem>>)
    %mul3A_111 = arith.constant 3 : i32
    %mul3A_112 = arith.muli %add3A, %mul3A_111 : i32
    %add3A_113 = arith.constant 1 : i32
    %add3A_114 = arith.addi %mul3A_112, %add3A_113 : i32
    %jit3A_115 = arith.constant 4 : i32
    %div3A_116 = arith.divsi %add3A_114, %jit3A_115 : i32
    %sign3A_117 = arith.constant 0 : i32
    %sign3A_118 = arith.cmpi sgt, %add3A_114, %sign3A_117 : i32
    %sign3A_119 = arith.extui %sign3A_118 : i1 to i32
    %sign3A_120 = arith.constant 0 : i32
    %sign3A_121 = arith.cmpi slt, %add3A_114, %sign3A_120 : i32
    %sign3A_122 = arith.extui %sign3A_121 : i1 to i32
    %sign3A_123 = arith.subi %sign3A_119, %sign3A_122 : i32
    %sign3A_124 = arith.constant 0 : i32
    %sign3A_125 = arith.cmpi sgt, %jit3A_115, %sign3A_124 : i32
    %sign3A_126 = arith.extui %sign3A_125 : i1 to i32
    %sign3A_127 = arith.constant 0 : i32
    %sign3A_128 = arith.cmpi slt, %jit3A_115, %sign3A_127 : i32
    %sign3A_129 = arith.extui %sign3A_128 : i1 to i32
    %sign3A_130 = arith.subi %sign3A_126, %sign3A_129 : i32
    %ne3A_131 = arith.cmpi ne, %sign3A_123, %sign3A_130 : i32
    %rem3A_132 = arith.remsi %add3A_114, %jit3A_115 : i32
    %ne3A_133 = arith.constant 0 : i32
    %ne3A_134 = arith.cmpi ne, %rem3A_132, %ne3A_133 : i32
    %and3A_135 = arith.andi %ne3A_131, %ne3A_134 : i1
    %sub3A_136 = arith.constant 1 : i32
    %sub3A_137 = arith.subi %div3A_116, %sub3A_136 : i32
    %select_n3A_138 = arith.select %and3A_135, %sub3A_137, %div3A_116 : i32
    %jit3A_139 = arith.constant 4 : i32
    %eq3A_140 = arith.constant 0 : i32
    %eq3A_141 = arith.cmpi eq, %jit3A_139, %eq3A_140 : i32
    %jit3A_142 = arith.constant 1 : i32
    %select_n3A_143 = arith.select %eq3A_141, %jit3A_142, %jit3A_139 : i32
    %rem3A_144 = arith.remsi %add3A_114, %select_n3A_143 : i32
    %ne3A_145 = arith.constant 0 : i32
    %ne3A_146 = arith.cmpi ne, %rem3A_144, %ne3A_145 : i32
    %lt3A_147 = arith.constant 0 : i32
    %lt3A_148 = arith.cmpi slt, %rem3A_144, %lt3A_147 : i32
    %lt3A_149 = arith.constant 0 : i32
    %lt3A_150 = arith.cmpi slt, %select_n3A_143, %lt3A_149 : i32
    %ne3A_151 = arith.xori %lt3A_148, %lt3A_150 : i1
    %and3A_152 = arith.andi %ne3A_151, %ne3A_146 : i1
    %add3A_153 = arith.addi %rem3A_144, %select_n3A_143 : i32
    %select_n3A_154 = arith.select %and3A_152, %add3A_153, %rem3A_144 : i32
    %jit3A_155 = arith.constant 8 : i32
    %div3A_156 = arith.divsi %select_n3A_138, %jit3A_155 : i32
    %sign3A_157 = arith.constant 0 : i32
    %sign3A_158 = arith.cmpi sgt, %select_n3A_138, %sign3A_157 : i32
    %sign3A_159 = arith.extui %sign3A_158 : i1 to i32
    %sign3A_160 = arith.constant 0 : i32
    %sign3A_161 = arith.cmpi slt, %select_n3A_138, %sign3A_160 : i32
    %sign3A_162 = arith.extui %sign3A_161 : i1 to i32
    %sign3A_163 = arith.subi %sign3A_159, %sign3A_162 : i32
    %sign3A_164 = arith.constant 0 : i32
    %sign3A_165 = arith.cmpi sgt, %jit3A_155, %sign3A_164 : i32
    %sign3A_166 = arith.extui %sign3A_165 : i1 to i32
    %sign3A_167 = arith.constant 0 : i32
    %sign3A_168 = arith.cmpi slt, %jit3A_155, %sign3A_167 : i32
    %sign3A_169 = arith.extui %sign3A_168 : i1 to i32
    %sign3A_170 = arith.subi %sign3A_166, %sign3A_169 : i32
    %ne3A_171 = arith.cmpi ne, %sign3A_163, %sign3A_170 : i32
    %rem3A_172 = arith.remsi %select_n3A_138, %jit3A_155 : i32
    %ne3A_173 = arith.constant 0 : i32
    %ne3A_174 = arith.cmpi ne, %rem3A_172, %ne3A_173 : i32
    %and3A_175 = arith.andi %ne3A_171, %ne3A_174 : i1
    %sub3A_176 = arith.constant 1 : i32
    %sub3A_177 = arith.subi %div3A_156, %sub3A_176 : i32
    %select_n3A_178 = arith.select %and3A_175, %sub3A_177, %div3A_156 : i32
    %jit3A_179 = arith.constant 8 : i32
    %eq3A_180 = arith.constant 0 : i32
    %eq3A_181 = arith.cmpi eq, %jit3A_179, %eq3A_180 : i32
    %jit3A_182 = arith.constant 1 : i32
    %select_n3A_183 = arith.select %eq3A_181, %jit3A_182, %jit3A_179 : i32
    %rem3A_184 = arith.remsi %select_n3A_138, %select_n3A_183 : i32
    %ne3A_185 = arith.constant 0 : i32
    %ne3A_186 = arith.cmpi ne, %rem3A_184, %ne3A_185 : i32
    %lt3A_187 = arith.constant 0 : i32
    %lt3A_188 = arith.cmpi slt, %rem3A_184, %lt3A_187 : i32
    %lt3A_189 = arith.constant 0 : i32
    %lt3A_190 = arith.cmpi slt, %select_n3A_183, %lt3A_189 : i32
    %ne3A_191 = arith.xori %lt3A_188, %lt3A_190 : i1
    %and3A_192 = arith.andi %ne3A_191, %ne3A_186 : i1
    %add3A_193 = arith.addi %rem3A_184, %select_n3A_183 : i32
    %select_n3A_194 = arith.select %and3A_192, %add3A_193, %rem3A_184 : i32
    %mul3A_195 = arith.constant 31 : i32
    %mul3A_196 = arith.muli %select_n3A_194, %mul3A_195 : i32
    %jit3A_197 = arith.constant 7 : i32
    %div3A_198 = arith.divsi %mul3A_196, %jit3A_197 : i32
    %sign3A_199 = arith.constant 0 : i32
    %sign3A_200 = arith.cmpi sgt, %mul3A_196, %sign3A_199 : i32
    %sign3A_201 = arith.extui %sign3A_200 : i1 to i32
    %sign3A_202 = arith.constant 0 : i32
    %sign3A_203 = arith.cmpi slt, %mul3A_196, %sign3A_202 : i32
    %sign3A_204 = arith.extui %sign3A_203 : i1 to i32
    %sign3A_205 = arith.subi %sign3A_201, %sign3A_204 : i32
    %sign3A_206 = arith.constant 0 : i32
    %sign3A_207 = arith.cmpi sgt, %jit3A_197, %sign3A_206 : i32
    %sign3A_208 = arith.extui %sign3A_207 : i1 to i32
    %sign3A_209 = arith.constant 0 : i32
    %sign3A_210 = arith.cmpi slt, %jit3A_197, %sign3A_209 : i32
    %sign3A_211 = arith.extui %sign3A_210 : i1 to i32
    %sign3A_212 = arith.subi %sign3A_208, %sign3A_211 : i32
    %ne3A_213 = arith.cmpi ne, %sign3A_205, %sign3A_212 : i32
    %rem3A_214 = arith.remsi %mul3A_196, %jit3A_197 : i32
    %ne3A_215 = arith.constant 0 : i32
    %ne3A_216 = arith.cmpi ne, %rem3A_214, %ne3A_215 : i32
    %and3A_217 = arith.andi %ne3A_213, %ne3A_216 : i1
    %sub3A_218 = arith.constant 1 : i32
    %sub3A_219 = arith.subi %div3A_198, %sub3A_218 : i32
    %select_n3A_220 = arith.select %and3A_217, %sub3A_219, %div3A_198 : i32
    %mul3A_221 = arith.constant 64 : i32
    %mul3A_222 = arith.muli %select_n3A_154, %mul3A_221 : i32
    %dma_start3A_223 = arith.constant 1 : i32
    %dma_start3A_224 = arith.constant 0 : i32
    %dma_start3A_225 = tpu.memref_slice %arg2[%select_n3A_178, %select_n3A_220, %mul3A_222, %dma_start3A_224] : memref<3x32x256x256xf32, #tpu.memory_space<hbm>> -> memref<1x1x64x256xf32, #tpu.memory_space<hbm>>
    %dma_start3A_226 = tpu.memref_squeeze %dma_start3A_225 : memref<1x1x64x256xf32, #tpu.memory_space<hbm>> -> memref<64x256xf32, #tpu.memory_space<hbm>>
    %dma_start3A_227 = tpu.memref_slice %arg7[%dma_start3A_223] : memref<3x!tpu.dma_semaphore, #tpu.memory_space<semaphore_mem>> -> memref<1x!tpu.dma_semaphore, #tpu.memory_space<semaphore_mem>>
    %dma_start3A_228 = tpu.memref_squeeze %dma_start3A_227 : memref<1x!tpu.dma_semaphore, #tpu.memory_space<semaphore_mem>> -> memref<!tpu.dma_semaphore, #tpu.memory_space<semaphore_mem>>
    %dma_start3A_229 = arith.constant 0 : i32
    %dma_start3A_230 = tpu.memref_slice %arg2[%select_n3A_178, %select_n3A_220, %mul3A_222, %dma_start3A_229] : memref<3x32x256x256xf32, #tpu.memory_space<hbm>> -> memref<1x1x64x256xf32, #tpu.memory_space<hbm>>
    %dma_start3A_231 = tpu.memref_squeeze %dma_start3A_230 : memref<1x1x64x256xf32, #tpu.memory_space<hbm>> -> memref<64x256xf32, #tpu.memory_space<hbm>>
    tpu.enqueue_dma source(%dma_start3A_231 : memref<64x256xf32, #tpu.memory_space<hbm>>) target(%arg5 : memref<64x256xf32, #tpu.memory_space<vmem>>) target_semaphore(%dma_start3A_228 : memref<!tpu.dma_semaphore, #tpu.memory_space<semaphore_mem>>)
    %mul3A_232 = arith.constant 3 : i32
    %mul3A_233 = arith.muli %add3A, %mul3A_232 : i32
    %add3A_234 = arith.constant 2 : i32
    %add3A_235 = arith.addi %mul3A_233, %add3A_234 : i32
    %jit3A_236 = arith.constant 4 : i32
    %div3A_237 = arith.divsi %add3A_235, %jit3A_236 : i32
    %sign3A_238 = arith.constant 0 : i32
    %sign3A_239 = arith.cmpi sgt, %add3A_235, %sign3A_238 : i32
    %sign3A_240 = arith.extui %sign3A_239 : i1 to i32
    %sign3A_241 = arith.constant 0 : i32
    %sign3A_242 = arith.cmpi slt, %add3A_235, %sign3A_241 : i32
    %sign3A_243 = arith.extui %sign3A_242 : i1 to i32
    %sign3A_244 = arith.subi %sign3A_240, %sign3A_243 : i32
    %sign3A_245 = arith.constant 0 : i32
    %sign3A_246 = arith.cmpi sgt, %jit3A_236, %sign3A_245 : i32
    %sign3A_247 = arith.extui %sign3A_246 : i1 to i32
    %sign3A_248 = arith.constant 0 : i32
    %sign3A_249 = arith.cmpi slt, %jit3A_236, %sign3A_248 : i32
    %sign3A_250 = arith.extui %sign3A_249 : i1 to i32
    %sign3A_251 = arith.subi %sign3A_247, %sign3A_250 : i32
    %ne3A_252 = arith.cmpi ne, %sign3A_244, %sign3A_251 : i32
    %rem3A_253 = arith.remsi %add3A_235, %jit3A_236 : i32
    %ne3A_254 = arith.constant 0 : i32
    %ne3A_255 = arith.cmpi ne, %rem3A_253, %ne3A_254 : i32
    %and3A_256 = arith.andi %ne3A_252, %ne3A_255 : i1
    %sub3A_257 = arith.constant 1 : i32
    %sub3A_258 = arith.subi %div3A_237, %sub3A_257 : i32
    %select_n3A_259 = arith.select %and3A_256, %sub3A_258, %div3A_237 : i32
    %jit3A_260 = arith.constant 4 : i32
    %eq3A_261 = arith.constant 0 : i32
    %eq3A_262 = arith.cmpi eq, %jit3A_260, %eq3A_261 : i32
    %jit3A_263 = arith.constant 1 : i32
    %select_n3A_264 = arith.select %eq3A_262, %jit3A_263, %jit3A_260 : i32
    %rem3A_265 = arith.remsi %add3A_235, %select_n3A_264 : i32
    %ne3A_266 = arith.constant 0 : i32
    %ne3A_267 = arith.cmpi ne, %rem3A_265, %ne3A_266 : i32
    %lt3A_268 = arith.constant 0 : i32
    %lt3A_269 = arith.cmpi slt, %rem3A_265, %lt3A_268 : i32
    %lt3A_270 = arith.constant 0 : i32
    %lt3A_271 = arith.cmpi slt, %select_n3A_264, %lt3A_270 : i32
    %ne3A_272 = arith.xori %lt3A_269, %lt3A_271 : i1
    %and3A_273 = arith.andi %ne3A_272, %ne3A_267 : i1
    %add3A_274 = arith.addi %rem3A_265, %select_n3A_264 : i32
    %select_n3A_275 = arith.select %and3A_273, %add3A_274, %rem3A_265 : i32
    %jit3A_276 = arith.constant 8 : i32
    %div3A_277 = arith.divsi %select_n3A_259, %jit3A_276 : i32
    %sign3A_278 = arith.constant 0 : i32
    %sign3A_279 = arith.cmpi sgt, %select_n3A_259, %sign3A_278 : i32
    %sign3A_280 = arith.extui %sign3A_279 : i1 to i32
    %sign3A_281 = arith.constant 0 : i32
    %sign3A_282 = arith.cmpi slt, %select_n3A_259, %sign3A_281 : i32
    %sign3A_283 = arith.extui %sign3A_282 : i1 to i32
    %sign3A_284 = arith.subi %sign3A_280, %sign3A_283 : i32
    %sign3A_285 = arith.constant 0 : i32
    %sign3A_286 = arith.cmpi sgt, %jit3A_276, %sign3A_285 : i32
    %sign3A_287 = arith.extui %sign3A_286 : i1 to i32
    %sign3A_288 = arith.constant 0 : i32
    %sign3A_289 = arith.cmpi slt, %jit3A_276, %sign3A_288 : i32
    %sign3A_290 = arith.extui %sign3A_289 : i1 to i32
    %sign3A_291 = arith.subi %sign3A_287, %sign3A_290 : i32
    %ne3A_292 = arith.cmpi ne, %sign3A_284, %sign3A_291 : i32
    %rem3A_293 = arith.remsi %select_n3A_259, %jit3A_276 : i32
    %ne3A_294 = arith.constant 0 : i32
    %ne3A_295 = arith.cmpi ne, %rem3A_293, %ne3A_294 : i32
    %and3A_296 = arith.andi %ne3A_292, %ne3A_295 : i1
    %sub3A_297 = arith.constant 1 : i32
    %sub3A_298 = arith.subi %div3A_277, %sub3A_297 : i32
    %select_n3A_299 = arith.select %and3A_296, %sub3A_298, %div3A_277 : i32
    %jit3A_300 = arith.constant 8 : i32
    %eq3A_301 = arith.constant 0 : i32
    %eq3A_302 = arith.cmpi eq, %jit3A_300, %eq3A_301 : i32
    %jit3A_303 = arith.constant 1 : i32
    %select_n3A_304 = arith.select %eq3A_302, %jit3A_303, %jit3A_300 : i32
    %rem3A_305 = arith.remsi %select_n3A_259, %select_n3A_304 : i32
    %ne3A_306 = arith.constant 0 : i32
    %ne3A_307 = arith.cmpi ne, %rem3A_305, %ne3A_306 : i32
    %lt3A_308 = arith.constant 0 : i32
    %lt3A_309 = arith.cmpi slt, %rem3A_305, %lt3A_308 : i32
    %lt3A_310 = arith.constant 0 : i32
    %lt3A_311 = arith.cmpi slt, %select_n3A_304, %lt3A_310 : i32
    %ne3A_312 = arith.xori %lt3A_309, %lt3A_311 : i1
    %and3A_313 = arith.andi %ne3A_312, %ne3A_307 : i1
    %add3A_314 = arith.addi %rem3A_305, %select_n3A_304 : i32
    %select_n3A_315 = arith.select %and3A_313, %add3A_314, %rem3A_305 : i32
    %mul3A_316 = arith.constant 31 : i32
    %mul3A_317 = arith.muli %select_n3A_315, %mul3A_316 : i32
    %jit3A_318 = arith.constant 7 : i32
    %div3A_319 = arith.divsi %mul3A_317, %jit3A_318 : i32
    %sign3A_320 = arith.constant 0 : i32
    %sign3A_321 = arith.cmpi sgt, %mul3A_317, %sign3A_320 : i32
    %sign3A_322 = arith.extui %sign3A_321 : i1 to i32
    %sign3A_323 = arith.constant 0 : i32
    %sign3A_324 = arith.cmpi slt, %mul3A_317, %sign3A_323 : i32
    %sign3A_325 = arith.extui %sign3A_324 : i1 to i32
    %sign3A_326 = arith.subi %sign3A_322, %sign3A_325 : i32
    %sign3A_327 = arith.constant 0 : i32
    %sign3A_328 = arith.cmpi sgt, %jit3A_318, %sign3A_327 : i32
    %sign3A_329 = arith.extui %sign3A_328 : i1 to i32
    %sign3A_330 = arith.constant 0 : i32
    %sign3A_331 = arith.cmpi slt, %jit3A_318, %sign3A_330 : i32
    %sign3A_332 = arith.extui %sign3A_331 : i1 to i32
    %sign3A_333 = arith.subi %sign3A_329, %sign3A_332 : i32
    %ne3A_334 = arith.cmpi ne, %sign3A_326, %sign3A_333 : i32
    %rem3A_335 = arith.remsi %mul3A_317, %jit3A_318 : i32
    %ne3A_336 = arith.constant 0 : i32
    %ne3A_337 = arith.cmpi ne, %rem3A_335, %ne3A_336 : i32
    %and3A_338 = arith.andi %ne3A_334, %ne3A_337 : i1
    %sub3A_339 = arith.constant 1 : i32
    %sub3A_340 = arith.subi %div3A_319, %sub3A_339 : i32
    %select_n3A_341 = arith.select %and3A_338, %sub3A_340, %div3A_319 : i32
    %mul3A_342 = arith.constant 64 : i32
    %mul3A_343 = arith.muli %select_n3A_275, %mul3A_342 : i32
    %dma_start3A_344 = arith.constant 2 : i32
    %dma_start3A_345 = arith.constant 0 : i32
    %dma_start3A_346 = tpu.memref_slice %arg2[%select_n3A_299, %select_n3A_341, %mul3A_343, %dma_start3A_345] : memref<3x32x256x256xf32, #tpu.memory_space<hbm>> -> memref<1x1x64x256xf32, #tpu.memory_space<hbm>>
    %dma_start3A_347 = tpu.memref_squeeze %dma_start3A_346 : memref<1x1x64x256xf32, #tpu.memory_space<hbm>> -> memref<64x256xf32, #tpu.memory_space<hbm>>
    %dma_start3A_348 = tpu.memref_slice %arg7[%dma_start3A_344] : memref<3x!tpu.dma_semaphore, #tpu.memory_space<semaphore_mem>> -> memref<1x!tpu.dma_semaphore, #tpu.memory_space<semaphore_mem>>
    %dma_start3A_349 = tpu.memref_squeeze %dma_start3A_348 : memref<1x!tpu.dma_semaphore, #tpu.memory_space<semaphore_mem>> -> memref<!tpu.dma_semaphore, #tpu.memory_space<semaphore_mem>>
    %dma_start3A_350 = arith.constant 0 : i32
    %dma_start3A_351 = tpu.memref_slice %arg2[%select_n3A_299, %select_n3A_341, %mul3A_343, %dma_start3A_350] : memref<3x32x256x256xf32, #tpu.memory_space<hbm>> -> memref<1x1x64x256xf32, #tpu.memory_space<hbm>>
    %dma_start3A_352 = tpu.memref_squeeze %dma_start3A_351 : memref<1x1x64x256xf32, #tpu.memory_space<hbm>> -> memref<64x256xf32, #tpu.memory_space<hbm>>
    tpu.enqueue_dma source(%dma_start3A_352 : memref<64x256xf32, #tpu.memory_space<hbm>>) target(%arg6 : memref<64x256xf32, #tpu.memory_space<vmem>>) target_semaphore(%dma_start3A_349 : memref<!tpu.dma_semaphore, #tpu.memory_space<semaphore_mem>>)
    %dma_wait3A = arith.constant 0 : i32
    %dma_wait3A_353 = arith.constant 0 : i32
    %dma_wait3A_354 = tpu.memref_slice %arg2[%select_n3A_58, %select_n3A_100, %mul3A_102, %dma_wait3A_353] : memref<3x32x256x256xf32, #tpu.memory_space<hbm>> -> memref<1x1x64x256xf32, #tpu.memory_space<hbm>>
    %dma_wait3A_355 = tpu.memref_squeeze %dma_wait3A_354 : memref<1x1x64x256xf32, #tpu.memory_space<hbm>> -> memref<64x256xf32, #tpu.memory_space<hbm>>
    %dma_wait3A_356 = tpu.memref_slice %arg7[%dma_wait3A] : memref<3x!tpu.dma_semaphore, #tpu.memory_space<semaphore_mem>> -> memref<1x!tpu.dma_semaphore, #tpu.memory_space<semaphore_mem>>
    %dma_wait3A_357 = tpu.memref_squeeze %dma_wait3A_356 : memref<1x!tpu.dma_semaphore, #tpu.memory_space<semaphore_mem>> -> memref<!tpu.dma_semaphore, #tpu.memory_space<semaphore_mem>>
    %dma_wait3A_358 = arith.constant 0 : i32
    %dma_wait3A_359 = tpu.memref_slice %arg2[%select_n3A_58, %select_n3A_100, %mul3A_102, %dma_wait3A_358] : memref<3x32x256x256xf32, #tpu.memory_space<hbm>> -> memref<1x1x64x256xf32, #tpu.memory_space<hbm>>
    %dma_wait3A_360 = tpu.memref_squeeze %dma_wait3A_359 : memref<1x1x64x256xf32, #tpu.memory_space<hbm>> -> memref<64x256xf32, #tpu.memory_space<hbm>>
    tpu.wait_dma2 semaphore(%dma_wait3A_357 : memref<!tpu.dma_semaphore, #tpu.memory_space<semaphore_mem>>) src(%dma_wait3A_360 : memref<64x256xf32, #tpu.memory_space<hbm>>) dst(%arg4 : memref<64x256xf32, #tpu.memory_space<vmem>>)
    %dma_start3A_361 = arith.constant 0 : i32
    %dma_start3A_362 = arith.constant 0 : i32
    %dma_start3A_363 = tpu.memref_slice %arg3[%select_n3A_58, %select_n3A_74, %mul3A_102, %dma_start3A_362] : memref<3x8x256x256xf32, #tpu.memory_space<hbm>> -> memref<1x1x64x256xf32, #tpu.memory_space<hbm>>
    %dma_start3A_364 = tpu.memref_squeeze %dma_start3A_363 : memref<1x1x64x256xf32, #tpu.memory_space<hbm>> -> memref<64x256xf32, #tpu.memory_space<hbm>>
    %dma_start3A_365 = tpu.memref_slice %arg8[%dma_start3A_361] : memref<3x!tpu.dma_semaphore, #tpu.memory_space<semaphore_mem>> -> memref<1x!tpu.dma_semaphore, #tpu.memory_space<semaphore_mem>>
    %dma_start3A_366 = tpu.memref_squeeze %dma_start3A_365 : memref<1x!tpu.dma_semaphore, #tpu.memory_space<semaphore_mem>> -> memref<!tpu.dma_semaphore, #tpu.memory_space<semaphore_mem>>
    %dma_start3A_367 = arith.constant 0 : i32
    %dma_start3A_368 = tpu.memref_slice %arg3[%select_n3A_58, %select_n3A_74, %mul3A_102, %dma_start3A_367] : memref<3x8x256x256xf32, #tpu.memory_space<hbm>> -> memref<1x1x64x256xf32, #tpu.memory_space<hbm>>
    %dma_start3A_369 = tpu.memref_squeeze %dma_start3A_368 : memref<1x1x64x256xf32, #tpu.memory_space<hbm>> -> memref<64x256xf32, #tpu.memory_space<hbm>>
    tpu.enqueue_dma source(%arg4 : memref<64x256xf32, #tpu.memory_space<vmem>>) target(%dma_start3A_369 : memref<64x256xf32, #tpu.memory_space<hbm>>) target_semaphore(%dma_start3A_366 : memref<!tpu.dma_semaphore, #tpu.memory_space<semaphore_mem>>)
    %dma_wait3A_370 = arith.constant 1 : i32
    %dma_wait3A_371 = arith.constant 0 : i32
    %dma_wait3A_372 = tpu.memref_slice %arg2[%select_n3A_178, %select_n3A_220, %mul3A_222, %dma_wait3A_371] : memref<3x32x256x256xf32, #tpu.memory_space<hbm>> -> memref<1x1x64x256xf32, #tpu.memory_space<hbm>>
    %dma_wait3A_373 = tpu.memref_squeeze %dma_wait3A_372 : memref<1x1x64x256xf32, #tpu.memory_space<hbm>> -> memref<64x256xf32, #tpu.memory_space<hbm>>
    %dma_wait3A_374 = tpu.memref_slice %arg7[%dma_wait3A_370] : memref<3x!tpu.dma_semaphore, #tpu.memory_space<semaphore_mem>> -> memref<1x!tpu.dma_semaphore, #tpu.memory_space<semaphore_mem>>
    %dma_wait3A_375 = tpu.memref_squeeze %dma_wait3A_374 : memref<1x!tpu.dma_semaphore, #tpu.memory_space<semaphore_mem>> -> memref<!tpu.dma_semaphore, #tpu.memory_space<semaphore_mem>>
    %dma_wait3A_376 = arith.constant 0 : i32
    %dma_wait3A_377 = tpu.memref_slice %arg2[%select_n3A_178, %select_n3A_220, %mul3A_222, %dma_wait3A_376] : memref<3x32x256x256xf32, #tpu.memory_space<hbm>> -> memref<1x1x64x256xf32, #tpu.memory_space<hbm>>
    %dma_wait3A_378 = tpu.memref_squeeze %dma_wait3A_377 : memref<1x1x64x256xf32, #tpu.memory_space<hbm>> -> memref<64x256xf32, #tpu.memory_space<hbm>>
    tpu.wait_dma2 semaphore(%dma_wait3A_375 : memref<!tpu.dma_semaphore, #tpu.memory_space<semaphore_mem>>) src(%dma_wait3A_378 : memref<64x256xf32, #tpu.memory_space<hbm>>) dst(%arg5 : memref<64x256xf32, #tpu.memory_space<vmem>>)
    %dma_start3A_379 = arith.constant 1 : i32
    %dma_start3A_380 = arith.constant 0 : i32
    %dma_start3A_381 = tpu.memref_slice %arg3[%select_n3A_178, %select_n3A_194, %mul3A_222, %dma_start3A_380] : memref<3x8x256x256xf32, #tpu.memory_space<hbm>> -> memref<1x1x64x256xf32, #tpu.memory_space<hbm>>
    %dma_start3A_382 = tpu.memref_squeeze %dma_start3A_381 : memref<1x1x64x256xf32, #tpu.memory_space<hbm>> -> memref<64x256xf32, #tpu.memory_space<hbm>>
    %dma_start3A_383 = tpu.memref_slice %arg8[%dma_start3A_379] : memref<3x!tpu.dma_semaphore, #tpu.memory_space<semaphore_mem>> -> memref<1x!tpu.dma_semaphore, #tpu.memory_space<semaphore_mem>>
    %dma_start3A_384 = tpu.memref_squeeze %dma_start3A_383 : memref<1x!tpu.dma_semaphore, #tpu.memory_space<semaphore_mem>> -> memref<!tpu.dma_semaphore, #tpu.memory_space<semaphore_mem>>
    %dma_start3A_385 = arith.constant 0 : i32
    %dma_start3A_386 = tpu.memref_slice %arg3[%select_n3A_178, %select_n3A_194, %mul3A_222, %dma_start3A_385] : memref<3x8x256x256xf32, #tpu.memory_space<hbm>> -> memref<1x1x64x256xf32, #tpu.memory_space<hbm>>
    %dma_start3A_387 = tpu.memref_squeeze %dma_start3A_386 : memref<1x1x64x256xf32, #tpu.memory_space<hbm>> -> memref<64x256xf32, #tpu.memory_space<hbm>>
    tpu.enqueue_dma source(%arg5 : memref<64x256xf32, #tpu.memory_space<vmem>>) target(%dma_start3A_387 : memref<64x256xf32, #tpu.memory_space<hbm>>) target_semaphore(%dma_start3A_384 : memref<!tpu.dma_semaphore, #tpu.memory_space<semaphore_mem>>)
    %dma_wait3A_388 = arith.constant 2 : i32
    %dma_wait3A_389 = arith.constant 0 : i32
    %dma_wait3A_390 = tpu.memref_slice %arg2[%select_n3A_299, %select_n3A_341, %mul3A_343, %dma_wait3A_389] : memref<3x32x256x256xf32, #tpu.memory_space<hbm>> -> memref<1x1x64x256xf32, #tpu.memory_space<hbm>>
    %dma_wait3A_391 = tpu.memref_squeeze %dma_wait3A_390 : memref<1x1x64x256xf32, #tpu.memory_space<hbm>> -> memref<64x256xf32, #tpu.memory_space<hbm>>
    %dma_wait3A_392 = tpu.memref_slice %arg7[%dma_wait3A_388] : memref<3x!tpu.dma_semaphore, #tpu.memory_space<semaphore_mem>> -> memref<1x!tpu.dma_semaphore, #tpu.memory_space<semaphore_mem>>
    %dma_wait3A_393 = tpu.memref_squeeze %dma_wait3A_392 : memref<1x!tpu.dma_semaphore, #tpu.memory_space<semaphore_mem>> -> memref<!tpu.dma_semaphore, #tpu.memory_space<semaphore_mem>>
    %dma_wait3A_394 = arith.constant 0 : i32
    %dma_wait3A_395 = tpu.memref_slice %arg2[%select_n3A_299, %select_n3A_341, %mul3A_343, %dma_wait3A_394] : memref<3x32x256x256xf32, #tpu.memory_space<hbm>> -> memref<1x1x64x256xf32, #tpu.memory_space<hbm>>
    %dma_wait3A_396 = tpu.memref_squeeze %dma_wait3A_395 : memref<1x1x64x256xf32, #tpu.memory_space<hbm>> -> memref<64x256xf32, #tpu.memory_space<hbm>>
    tpu.wait_dma2 semaphore(%dma_wait3A_393 : memref<!tpu.dma_semaphore, #tpu.memory_space<semaphore_mem>>) src(%dma_wait3A_396 : memref<64x256xf32, #tpu.memory_space<hbm>>) dst(%arg6 : memref<64x256xf32, #tpu.memory_space<vmem>>)
    %dma_start3A_397 = arith.constant 2 : i32
    %dma_start3A_398 = arith.constant 0 : i32
    %dma_start3A_399 = tpu.memref_slice %arg3[%select_n3A_299, %select_n3A_315, %mul3A_343, %dma_start3A_398] : memref<3x8x256x256xf32, #tpu.memory_space<hbm>> -> memref<1x1x64x256xf32, #tpu.memory_space<hbm>>
    %dma_start3A_400 = tpu.memref_squeeze %dma_start3A_399 : memref<1x1x64x256xf32, #tpu.memory_space<hbm>> -> memref<64x256xf32, #tpu.memory_space<hbm>>
    %dma_start3A_401 = tpu.memref_slice %arg8[%dma_start3A_397] : memref<3x!tpu.dma_semaphore, #tpu.memory_space<semaphore_mem>> -> memref<1x!tpu.dma_semaphore, #tpu.memory_space<semaphore_mem>>
    %dma_start3A_402 = tpu.memref_squeeze %dma_start3A_401 : memref<1x!tpu.dma_semaphore, #tpu.memory_space<semaphore_mem>> -> memref<!tpu.dma_semaphore, #tpu.memory_space<semaphore_mem>>
    %dma_start3A_403 = arith.constant 0 : i32
    %dma_start3A_404 = tpu.memref_slice %arg3[%select_n3A_299, %select_n3A_315, %mul3A_343, %dma_start3A_403] : memref<3x8x256x256xf32, #tpu.memory_space<hbm>> -> memref<1x1x64x256xf32, #tpu.memory_space<hbm>>
    %dma_start3A_405 = tpu.memref_squeeze %dma_start3A_404 : memref<1x1x64x256xf32, #tpu.memory_space<hbm>> -> memref<64x256xf32, #tpu.memory_space<hbm>>
    tpu.enqueue_dma source(%arg6 : memref<64x256xf32, #tpu.memory_space<vmem>>) target(%dma_start3A_405 : memref<64x256xf32, #tpu.memory_space<hbm>>) target_semaphore(%dma_start3A_402 : memref<!tpu.dma_semaphore, #tpu.memory_space<semaphore_mem>>)
    %dma_wait3A_406 = arith.constant 0 : i32
    %dma_wait3A_407 = arith.constant 0 : i32
    %dma_wait3A_408 = tpu.memref_slice %arg3[%select_n3A_58, %select_n3A_74, %mul3A_102, %dma_wait3A_407] : memref<3x8x256x256xf32, #tpu.memory_space<hbm>> -> memref<1x1x64x256xf32, #tpu.memory_space<hbm>>
    %dma_wait3A_409 = tpu.memref_squeeze %dma_wait3A_408 : memref<1x1x64x256xf32, #tpu.memory_space<hbm>> -> memref<64x256xf32, #tpu.memory_space<hbm>>
    %dma_wait3A_410 = tpu.memref_slice %arg8[%dma_wait3A_406] : memref<3x!tpu.dma_semaphore, #tpu.memory_space<semaphore_mem>> -> memref<1x!tpu.dma_semaphore, #tpu.memory_space<semaphore_mem>>
    %dma_wait3A_411 = tpu.memref_squeeze %dma_wait3A_410 : memref<1x!tpu.dma_semaphore, #tpu.memory_space<semaphore_mem>> -> memref<!tpu.dma_semaphore, #tpu.memory_space<semaphore_mem>>
    %dma_wait3A_412 = arith.constant 0 : i32
    %dma_wait3A_413 = tpu.memref_slice %arg3[%select_n3A_58, %select_n3A_74, %mul3A_102, %dma_wait3A_412] : memref<3x8x256x256xf32, #tpu.memory_space<hbm>> -> memref<1x1x64x256xf32, #tpu.memory_space<hbm>>
    %dma_wait3A_414 = tpu.memref_squeeze %dma_wait3A_413 : memref<1x1x64x256xf32, #tpu.memory_space<hbm>> -> memref<64x256xf32, #tpu.memory_space<hbm>>
    tpu.wait_dma2 semaphore(%dma_wait3A_411 : memref<!tpu.dma_semaphore, #tpu.memory_space<semaphore_mem>>) src(%arg4 : memref<64x256xf32, #tpu.memory_space<vmem>>) dst(%dma_wait3A_414 : memref<64x256xf32, #tpu.memory_space<hbm>>)
    %dma_wait3A_415 = arith.constant 1 : i32
    %dma_wait3A_416 = arith.constant 0 : i32
    %dma_wait3A_417 = tpu.memref_slice %arg3[%select_n3A_178, %select_n3A_194, %mul3A_222, %dma_wait3A_416] : memref<3x8x256x256xf32, #tpu.memory_space<hbm>> -> memref<1x1x64x256xf32, #tpu.memory_space<hbm>>
    %dma_wait3A_418 = tpu.memref_squeeze %dma_wait3A_417 : memref<1x1x64x256xf32, #tpu.memory_space<hbm>> -> memref<64x256xf32, #tpu.memory_space<hbm>>
    %dma_wait3A_419 = tpu.memref_slice %arg8[%dma_wait3A_415] : memref<3x!tpu.dma_semaphore, #tpu.memory_space<semaphore_mem>> -> memref<1x!tpu.dma_semaphore, #tpu.memory_space<semaphore_mem>>
    %dma_wait3A_420 = tpu.memref_squeeze %dma_wait3A_419 : memref<1x!tpu.dma_semaphore, #tpu.memory_space<semaphore_mem>> -> memref<!tpu.dma_semaphore, #tpu.memory_space<semaphore_mem>>
    %dma_wait3A_421 = arith.constant 0 : i32
    %dma_wait3A_422 = tpu.memref_slice %arg3[%select_n3A_178, %select_n3A_194, %mul3A_222, %dma_wait3A_421] : memref<3x8x256x256xf32, #tpu.memory_space<hbm>> -> memref<1x1x64x256xf32, #tpu.memory_space<hbm>>
    %dma_wait3A_423 = tpu.memref_squeeze %dma_wait3A_422 : memref<1x1x64x256xf32, #tpu.memory_space<hbm>> -> memref<64x256xf32, #tpu.memory_space<hbm>>
    tpu.wait_dma2 semaphore(%dma_wait3A_420 : memref<!tpu.dma_semaphore, #tpu.memory_space<semaphore_mem>>) src(%arg5 : memref<64x256xf32, #tpu.memory_space<vmem>>) dst(%dma_wait3A_423 : memref<64x256xf32, #tpu.memory_space<hbm>>)
    %dma_wait3A_424 = arith.constant 2 : i32
    %dma_wait3A_425 = arith.constant 0 : i32
    %dma_wait3A_426 = tpu.memref_slice %arg3[%select_n3A_299, %select_n3A_315, %mul3A_343, %dma_wait3A_425] : memref<3x8x256x256xf32, #tpu.memory_space<hbm>> -> memref<1x1x64x256xf32, #tpu.memory_space<hbm>>
    %dma_wait3A_427 = tpu.memref_squeeze %dma_wait3A_426 : memref<1x1x64x256xf32, #tpu.memory_space<hbm>> -> memref<64x256xf32, #tpu.memory_space<hbm>>
    %dma_wait3A_428 = tpu.memref_slice %arg8[%dma_wait3A_424] : memref<3x!tpu.dma_semaphore, #tpu.memory_space<semaphore_mem>> -> memref<1x!tpu.dma_semaphore, #tpu.memory_space<semaphore_mem>>
    %dma_wait3A_429 = tpu.memref_squeeze %dma_wait3A_428 : memref<1x!tpu.dma_semaphore, #tpu.memory_space<semaphore_mem>> -> memref<!tpu.dma_semaphore, #tpu.memory_space<semaphore_mem>>
    %dma_wait3A_430 = arith.constant 0 : i32
    %dma_wait3A_431 = tpu.memref_slice %arg3[%select_n3A_299, %select_n3A_315, %mul3A_343, %dma_wait3A_430] : memref<3x8x256x256xf32, #tpu.memory_space<hbm>> -> memref<1x1x64x256xf32, #tpu.memory_space<hbm>>
    %dma_wait3A_432 = tpu.memref_squeeze %dma_wait3A_431 : memref<1x1x64x256xf32, #tpu.memory_space<hbm>> -> memref<64x256xf32, #tpu.memory_space<hbm>>
    tpu.wait_dma2 semaphore(%dma_wait3A_429 : memref<!tpu.dma_semaphore, #tpu.memory_space<semaphore_mem>>) src(%arg6 : memref<64x256xf32, #tpu.memory_space<vmem>>) dst(%dma_wait3A_432 : memref<64x256xf32, #tpu.memory_space<hbm>>)
    return
  }
}

module attributes {stable_mosaic.version = 14 : i64} {
  func.func @_fast_copy_body(%arg0: memref<3x32x256x256xf32, #tpu.memory_space<any>>, %arg1: memref<3x32x256x256xf32, #tpu.memory_space<any>>, %arg2: memref<16x256x256xf32, #tpu.memory_space<vmem>>, %arg3: memref<16x256x256xf32, #tpu.memory_space<vmem>>, %arg4: memref<16x256x256xf32, #tpu.memory_space<vmem>>, %arg5: memref<16x256x256xf32, #tpu.memory_space<vmem>>, %arg6: memref<16x256x256xf32, #tpu.memory_space<vmem>>, %arg7: memref<16x256x256xf32, #tpu.memory_space<vmem>>, %arg8: memref<6x!tpu.dma_semaphore, #tpu.memory_space<semaphore_mem>>, %arg9: memref<6x!tpu.dma_semaphore, #tpu.memory_space<semaphore_mem>>) attributes {dimension_semantics = [], scalar_prefetch = 0 : i64, scratch_operands = 8 : i64, tpu.core_type = #tpu.core_type<tc>} {
    %dma_start3A = arith.constant 0 : i32
    %dma_start3A_0 = arith.constant 0 : i32
    %dma_start3A_1 = tpu.memref_slice %arg8[%dma_start3A_0] : memref<6x!tpu.dma_semaphore, #tpu.memory_space<semaphore_mem>> -> memref<1x!tpu.dma_semaphore, #tpu.memory_space<semaphore_mem>>
    %dma_start3A_2 = tpu.memref_squeeze %dma_start3A_1 : memref<1x!tpu.dma_semaphore, #tpu.memory_space<semaphore_mem>> -> memref<!tpu.dma_semaphore, #tpu.memory_space<semaphore_mem>>
    %dma_start3A_3 = arith.constant 0 : i32
    %dma_start3A_4 = arith.constant 0 : i32
    %dma_start3A_5 = arith.constant 0 : i32
    %dma_start3A_6 = tpu.memref_slice %arg0[%dma_start3A, %dma_start3A_3, %dma_start3A_4, %dma_start3A_5] : memref<3x32x256x256xf32, #tpu.memory_space<any>> -> memref<1x16x256x256xf32, #tpu.memory_space<any>>
    %dma_start3A_7 = tpu.memref_squeeze %dma_start3A_6 : memref<1x16x256x256xf32, #tpu.memory_space<any>> -> memref<16x256x256xf32, #tpu.memory_space<any>>
    tpu.enqueue_dma source(%dma_start3A_7 : memref<16x256x256xf32, #tpu.memory_space<any>>) target(%arg2 : memref<16x256x256xf32, #tpu.memory_space<vmem>>) target_semaphore(%dma_start3A_2 : memref<!tpu.dma_semaphore, #tpu.memory_space<semaphore_mem>>)
    %dma_start3A_8 = arith.constant 0 : i32
    %dma_start3A_9 = arith.constant 1 : i32
    %dma_start3A_10 = tpu.memref_slice %arg8[%dma_start3A_9] : memref<6x!tpu.dma_semaphore, #tpu.memory_space<semaphore_mem>> -> memref<1x!tpu.dma_semaphore, #tpu.memory_space<semaphore_mem>>
    %dma_start3A_11 = tpu.memref_squeeze %dma_start3A_10 : memref<1x!tpu.dma_semaphore, #tpu.memory_space<semaphore_mem>> -> memref<!tpu.dma_semaphore, #tpu.memory_space<semaphore_mem>>
    %dma_start3A_12 = arith.constant 16 : i32
    %dma_start3A_13 = arith.constant 0 : i32
    %dma_start3A_14 = arith.constant 0 : i32
    %dma_start3A_15 = tpu.memref_slice %arg0[%dma_start3A_8, %dma_start3A_12, %dma_start3A_13, %dma_start3A_14] : memref<3x32x256x256xf32, #tpu.memory_space<any>> -> memref<1x16x256x256xf32, #tpu.memory_space<any>>
    %dma_start3A_16 = tpu.memref_squeeze %dma_start3A_15 : memref<1x16x256x256xf32, #tpu.memory_space<any>> -> memref<16x256x256xf32, #tpu.memory_space<any>>
    tpu.enqueue_dma source(%dma_start3A_16 : memref<16x256x256xf32, #tpu.memory_space<any>>) target(%arg3 : memref<16x256x256xf32, #tpu.memory_space<vmem>>) target_semaphore(%dma_start3A_11 : memref<!tpu.dma_semaphore, #tpu.memory_space<semaphore_mem>>)
    %dma_start3A_17 = arith.constant 1 : i32
    %dma_start3A_18 = arith.constant 2 : i32
    %dma_start3A_19 = tpu.memref_slice %arg8[%dma_start3A_18] : memref<6x!tpu.dma_semaphore, #tpu.memory_space<semaphore_mem>> -> memref<1x!tpu.dma_semaphore, #tpu.memory_space<semaphore_mem>>
    %dma_start3A_20 = tpu.memref_squeeze %dma_start3A_19 : memref<1x!tpu.dma_semaphore, #tpu.memory_space<semaphore_mem>> -> memref<!tpu.dma_semaphore, #tpu.memory_space<semaphore_mem>>
    %dma_start3A_21 = arith.constant 0 : i32
    %dma_start3A_22 = arith.constant 0 : i32
    %dma_start3A_23 = arith.constant 0 : i32
    %dma_start3A_24 = tpu.memref_slice %arg0[%dma_start3A_17, %dma_start3A_21, %dma_start3A_22, %dma_start3A_23] : memref<3x32x256x256xf32, #tpu.memory_space<any>> -> memref<1x16x256x256xf32, #tpu.memory_space<any>>
    %dma_start3A_25 = tpu.memref_squeeze %dma_start3A_24 : memref<1x16x256x256xf32, #tpu.memory_space<any>> -> memref<16x256x256xf32, #tpu.memory_space<any>>
    tpu.enqueue_dma source(%dma_start3A_25 : memref<16x256x256xf32, #tpu.memory_space<any>>) target(%arg4 : memref<16x256x256xf32, #tpu.memory_space<vmem>>) target_semaphore(%dma_start3A_20 : memref<!tpu.dma_semaphore, #tpu.memory_space<semaphore_mem>>)
    %dma_start3A_26 = arith.constant 1 : i32
    %dma_start3A_27 = arith.constant 3 : i32
    %dma_start3A_28 = tpu.memref_slice %arg8[%dma_start3A_27] : memref<6x!tpu.dma_semaphore, #tpu.memory_space<semaphore_mem>> -> memref<1x!tpu.dma_semaphore, #tpu.memory_space<semaphore_mem>>
    %dma_start3A_29 = tpu.memref_squeeze %dma_start3A_28 : memref<1x!tpu.dma_semaphore, #tpu.memory_space<semaphore_mem>> -> memref<!tpu.dma_semaphore, #tpu.memory_space<semaphore_mem>>
    %dma_start3A_30 = arith.constant 16 : i32
    %dma_start3A_31 = arith.constant 0 : i32
    %dma_start3A_32 = arith.constant 0 : i32
    %dma_start3A_33 = tpu.memref_slice %arg0[%dma_start3A_26, %dma_start3A_30, %dma_start3A_31, %dma_start3A_32] : memref<3x32x256x256xf32, #tpu.memory_space<any>> -> memref<1x16x256x256xf32, #tpu.memory_space<any>>
    %dma_start3A_34 = tpu.memref_squeeze %dma_start3A_33 : memref<1x16x256x256xf32, #tpu.memory_space<any>> -> memref<16x256x256xf32, #tpu.memory_space<any>>
    tpu.enqueue_dma source(%dma_start3A_34 : memref<16x256x256xf32, #tpu.memory_space<any>>) target(%arg5 : memref<16x256x256xf32, #tpu.memory_space<vmem>>) target_semaphore(%dma_start3A_29 : memref<!tpu.dma_semaphore, #tpu.memory_space<semaphore_mem>>)
    %dma_start3A_35 = arith.constant 2 : i32
    %dma_start3A_36 = arith.constant 4 : i32
    %dma_start3A_37 = tpu.memref_slice %arg8[%dma_start3A_36] : memref<6x!tpu.dma_semaphore, #tpu.memory_space<semaphore_mem>> -> memref<1x!tpu.dma_semaphore, #tpu.memory_space<semaphore_mem>>
    %dma_start3A_38 = tpu.memref_squeeze %dma_start3A_37 : memref<1x!tpu.dma_semaphore, #tpu.memory_space<semaphore_mem>> -> memref<!tpu.dma_semaphore, #tpu.memory_space<semaphore_mem>>
    %dma_start3A_39 = arith.constant 0 : i32
    %dma_start3A_40 = arith.constant 0 : i32
    %dma_start3A_41 = arith.constant 0 : i32
    %dma_start3A_42 = tpu.memref_slice %arg0[%dma_start3A_35, %dma_start3A_39, %dma_start3A_40, %dma_start3A_41] : memref<3x32x256x256xf32, #tpu.memory_space<any>> -> memref<1x16x256x256xf32, #tpu.memory_space<any>>
    %dma_start3A_43 = tpu.memref_squeeze %dma_start3A_42 : memref<1x16x256x256xf32, #tpu.memory_space<any>> -> memref<16x256x256xf32, #tpu.memory_space<any>>
    tpu.enqueue_dma source(%dma_start3A_43 : memref<16x256x256xf32, #tpu.memory_space<any>>) target(%arg6 : memref<16x256x256xf32, #tpu.memory_space<vmem>>) target_semaphore(%dma_start3A_38 : memref<!tpu.dma_semaphore, #tpu.memory_space<semaphore_mem>>)
    %dma_start3A_44 = arith.constant 2 : i32
    %dma_start3A_45 = arith.constant 5 : i32
    %dma_start3A_46 = tpu.memref_slice %arg8[%dma_start3A_45] : memref<6x!tpu.dma_semaphore, #tpu.memory_space<semaphore_mem>> -> memref<1x!tpu.dma_semaphore, #tpu.memory_space<semaphore_mem>>
    %dma_start3A_47 = tpu.memref_squeeze %dma_start3A_46 : memref<1x!tpu.dma_semaphore, #tpu.memory_space<semaphore_mem>> -> memref<!tpu.dma_semaphore, #tpu.memory_space<semaphore_mem>>
    %dma_start3A_48 = arith.constant 16 : i32
    %dma_start3A_49 = arith.constant 0 : i32
    %dma_start3A_50 = arith.constant 0 : i32
    %dma_start3A_51 = tpu.memref_slice %arg0[%dma_start3A_44, %dma_start3A_48, %dma_start3A_49, %dma_start3A_50] : memref<3x32x256x256xf32, #tpu.memory_space<any>> -> memref<1x16x256x256xf32, #tpu.memory_space<any>>
    %dma_start3A_52 = tpu.memref_squeeze %dma_start3A_51 : memref<1x16x256x256xf32, #tpu.memory_space<any>> -> memref<16x256x256xf32, #tpu.memory_space<any>>
    tpu.enqueue_dma source(%dma_start3A_52 : memref<16x256x256xf32, #tpu.memory_space<any>>) target(%arg7 : memref<16x256x256xf32, #tpu.memory_space<vmem>>) target_semaphore(%dma_start3A_47 : memref<!tpu.dma_semaphore, #tpu.memory_space<semaphore_mem>>)
    %dma_wait3A = arith.constant 0 : i32
    %dma_wait3A_53 = arith.constant 0 : i32
    %dma_wait3A_54 = tpu.memref_slice %arg8[%dma_wait3A_53] : memref<6x!tpu.dma_semaphore, #tpu.memory_space<semaphore_mem>> -> memref<1x!tpu.dma_semaphore, #tpu.memory_space<semaphore_mem>>
    %dma_wait3A_55 = tpu.memref_squeeze %dma_wait3A_54 : memref<1x!tpu.dma_semaphore, #tpu.memory_space<semaphore_mem>> -> memref<!tpu.dma_semaphore, #tpu.memory_space<semaphore_mem>>
    %dma_wait3A_56 = arith.constant 0 : i32
    %dma_wait3A_57 = arith.constant 0 : i32
    %dma_wait3A_58 = arith.constant 0 : i32
    %dma_wait3A_59 = tpu.memref_slice %arg0[%dma_wait3A, %dma_wait3A_56, %dma_wait3A_57, %dma_wait3A_58] : memref<3x32x256x256xf32, #tpu.memory_space<any>> -> memref<1x16x256x256xf32, #tpu.memory_space<any>>
    %dma_wait3A_60 = tpu.memref_squeeze %dma_wait3A_59 : memref<1x16x256x256xf32, #tpu.memory_space<any>> -> memref<16x256x256xf32, #tpu.memory_space<any>>
    tpu.wait_dma2 semaphore(%dma_wait3A_55 : memref<!tpu.dma_semaphore, #tpu.memory_space<semaphore_mem>>) src(%dma_wait3A_60 : memref<16x256x256xf32, #tpu.memory_space<any>>) dst(%arg2 : memref<16x256x256xf32, #tpu.memory_space<vmem>>)
    %dma_start3A_61 = arith.constant 0 : i32
    %dma_start3A_62 = arith.constant 0 : i32
    %dma_start3A_63 = tpu.memref_slice %arg9[%dma_start3A_62] : memref<6x!tpu.dma_semaphore, #tpu.memory_space<semaphore_mem>> -> memref<1x!tpu.dma_semaphore, #tpu.memory_space<semaphore_mem>>
    %dma_start3A_64 = tpu.memref_squeeze %dma_start3A_63 : memref<1x!tpu.dma_semaphore, #tpu.memory_space<semaphore_mem>> -> memref<!tpu.dma_semaphore, #tpu.memory_space<semaphore_mem>>
    %dma_start3A_65 = arith.constant 0 : i32
    %dma_start3A_66 = arith.constant 0 : i32
    %dma_start3A_67 = arith.constant 0 : i32
    %dma_start3A_68 = tpu.memref_slice %arg1[%dma_start3A_61, %dma_start3A_65, %dma_start3A_66, %dma_start3A_67] : memref<3x32x256x256xf32, #tpu.memory_space<any>> -> memref<1x16x256x256xf32, #tpu.memory_space<any>>
    %dma_start3A_69 = tpu.memref_squeeze %dma_start3A_68 : memref<1x16x256x256xf32, #tpu.memory_space<any>> -> memref<16x256x256xf32, #tpu.memory_space<any>>
    tpu.enqueue_dma source(%arg2 : memref<16x256x256xf32, #tpu.memory_space<vmem>>) target(%dma_start3A_69 : memref<16x256x256xf32, #tpu.memory_space<any>>) target_semaphore(%dma_start3A_64 : memref<!tpu.dma_semaphore, #tpu.memory_space<semaphore_mem>>)
    %dma_wait3A_70 = arith.constant 0 : i32
    %dma_wait3A_71 = arith.constant 1 : i32
    %dma_wait3A_72 = tpu.memref_slice %arg8[%dma_wait3A_71] : memref<6x!tpu.dma_semaphore, #tpu.memory_space<semaphore_mem>> -> memref<1x!tpu.dma_semaphore, #tpu.memory_space<semaphore_mem>>
    %dma_wait3A_73 = tpu.memref_squeeze %dma_wait3A_72 : memref<1x!tpu.dma_semaphore, #tpu.memory_space<semaphore_mem>> -> memref<!tpu.dma_semaphore, #tpu.memory_space<semaphore_mem>>
    %dma_wait3A_74 = arith.constant 16 : i32
    %dma_wait3A_75 = arith.constant 0 : i32
    %dma_wait3A_76 = arith.constant 0 : i32
    %dma_wait3A_77 = tpu.memref_slice %arg0[%dma_wait3A_70, %dma_wait3A_74, %dma_wait3A_75, %dma_wait3A_76] : memref<3x32x256x256xf32, #tpu.memory_space<any>> -> memref<1x16x256x256xf32, #tpu.memory_space<any>>
    %dma_wait3A_78 = tpu.memref_squeeze %dma_wait3A_77 : memref<1x16x256x256xf32, #tpu.memory_space<any>> -> memref<16x256x256xf32, #tpu.memory_space<any>>
    tpu.wait_dma2 semaphore(%dma_wait3A_73 : memref<!tpu.dma_semaphore, #tpu.memory_space<semaphore_mem>>) src(%dma_wait3A_78 : memref<16x256x256xf32, #tpu.memory_space<any>>) dst(%arg3 : memref<16x256x256xf32, #tpu.memory_space<vmem>>)
    %dma_start3A_79 = arith.constant 0 : i32
    %dma_start3A_80 = arith.constant 1 : i32
    %dma_start3A_81 = tpu.memref_slice %arg9[%dma_start3A_80] : memref<6x!tpu.dma_semaphore, #tpu.memory_space<semaphore_mem>> -> memref<1x!tpu.dma_semaphore, #tpu.memory_space<semaphore_mem>>
    %dma_start3A_82 = tpu.memref_squeeze %dma_start3A_81 : memref<1x!tpu.dma_semaphore, #tpu.memory_space<semaphore_mem>> -> memref<!tpu.dma_semaphore, #tpu.memory_space<semaphore_mem>>
    %dma_start3A_83 = arith.constant 16 : i32
    %dma_start3A_84 = arith.constant 0 : i32
    %dma_start3A_85 = arith.constant 0 : i32
    %dma_start3A_86 = tpu.memref_slice %arg1[%dma_start3A_79, %dma_start3A_83, %dma_start3A_84, %dma_start3A_85] : memref<3x32x256x256xf32, #tpu.memory_space<any>> -> memref<1x16x256x256xf32, #tpu.memory_space<any>>
    %dma_start3A_87 = tpu.memref_squeeze %dma_start3A_86 : memref<1x16x256x256xf32, #tpu.memory_space<any>> -> memref<16x256x256xf32, #tpu.memory_space<any>>
    tpu.enqueue_dma source(%arg3 : memref<16x256x256xf32, #tpu.memory_space<vmem>>) target(%dma_start3A_87 : memref<16x256x256xf32, #tpu.memory_space<any>>) target_semaphore(%dma_start3A_82 : memref<!tpu.dma_semaphore, #tpu.memory_space<semaphore_mem>>)
    %dma_wait3A_88 = arith.constant 1 : i32
    %dma_wait3A_89 = arith.constant 2 : i32
    %dma_wait3A_90 = tpu.memref_slice %arg8[%dma_wait3A_89] : memref<6x!tpu.dma_semaphore, #tpu.memory_space<semaphore_mem>> -> memref<1x!tpu.dma_semaphore, #tpu.memory_space<semaphore_mem>>
    %dma_wait3A_91 = tpu.memref_squeeze %dma_wait3A_90 : memref<1x!tpu.dma_semaphore, #tpu.memory_space<semaphore_mem>> -> memref<!tpu.dma_semaphore, #tpu.memory_space<semaphore_mem>>
    %dma_wait3A_92 = arith.constant 0 : i32
    %dma_wait3A_93 = arith.constant 0 : i32
    %dma_wait3A_94 = arith.constant 0 : i32
    %dma_wait3A_95 = tpu.memref_slice %arg0[%dma_wait3A_88, %dma_wait3A_92, %dma_wait3A_93, %dma_wait3A_94] : memref<3x32x256x256xf32, #tpu.memory_space<any>> -> memref<1x16x256x256xf32, #tpu.memory_space<any>>
    %dma_wait3A_96 = tpu.memref_squeeze %dma_wait3A_95 : memref<1x16x256x256xf32, #tpu.memory_space<any>> -> memref<16x256x256xf32, #tpu.memory_space<any>>
    tpu.wait_dma2 semaphore(%dma_wait3A_91 : memref<!tpu.dma_semaphore, #tpu.memory_space<semaphore_mem>>) src(%dma_wait3A_96 : memref<16x256x256xf32, #tpu.memory_space<any>>) dst(%arg4 : memref<16x256x256xf32, #tpu.memory_space<vmem>>)
    %dma_start3A_97 = arith.constant 1 : i32
    %dma_start3A_98 = arith.constant 2 : i32
    %dma_start3A_99 = tpu.memref_slice %arg9[%dma_start3A_98] : memref<6x!tpu.dma_semaphore, #tpu.memory_space<semaphore_mem>> -> memref<1x!tpu.dma_semaphore, #tpu.memory_space<semaphore_mem>>
    %dma_start3A_100 = tpu.memref_squeeze %dma_start3A_99 : memref<1x!tpu.dma_semaphore, #tpu.memory_space<semaphore_mem>> -> memref<!tpu.dma_semaphore, #tpu.memory_space<semaphore_mem>>
    %dma_start3A_101 = arith.constant 0 : i32
    %dma_start3A_102 = arith.constant 0 : i32
    %dma_start3A_103 = arith.constant 0 : i32
    %dma_start3A_104 = tpu.memref_slice %arg1[%dma_start3A_97, %dma_start3A_101, %dma_start3A_102, %dma_start3A_103] : memref<3x32x256x256xf32, #tpu.memory_space<any>> -> memref<1x16x256x256xf32, #tpu.memory_space<any>>
    %dma_start3A_105 = tpu.memref_squeeze %dma_start3A_104 : memref<1x16x256x256xf32, #tpu.memory_space<any>> -> memref<16x256x256xf32, #tpu.memory_space<any>>
    tpu.enqueue_dma source(%arg4 : memref<16x256x256xf32, #tpu.memory_space<vmem>>) target(%dma_start3A_105 : memref<16x256x256xf32, #tpu.memory_space<any>>) target_semaphore(%dma_start3A_100 : memref<!tpu.dma_semaphore, #tpu.memory_space<semaphore_mem>>)
    %dma_wait3A_106 = arith.constant 1 : i32
    %dma_wait3A_107 = arith.constant 3 : i32
    %dma_wait3A_108 = tpu.memref_slice %arg8[%dma_wait3A_107] : memref<6x!tpu.dma_semaphore, #tpu.memory_space<semaphore_mem>> -> memref<1x!tpu.dma_semaphore, #tpu.memory_space<semaphore_mem>>
    %dma_wait3A_109 = tpu.memref_squeeze %dma_wait3A_108 : memref<1x!tpu.dma_semaphore, #tpu.memory_space<semaphore_mem>> -> memref<!tpu.dma_semaphore, #tpu.memory_space<semaphore_mem>>
    %dma_wait3A_110 = arith.constant 16 : i32
    %dma_wait3A_111 = arith.constant 0 : i32
    %dma_wait3A_112 = arith.constant 0 : i32
    %dma_wait3A_113 = tpu.memref_slice %arg0[%dma_wait3A_106, %dma_wait3A_110, %dma_wait3A_111, %dma_wait3A_112] : memref<3x32x256x256xf32, #tpu.memory_space<any>> -> memref<1x16x256x256xf32, #tpu.memory_space<any>>
    %dma_wait3A_114 = tpu.memref_squeeze %dma_wait3A_113 : memref<1x16x256x256xf32, #tpu.memory_space<any>> -> memref<16x256x256xf32, #tpu.memory_space<any>>
    tpu.wait_dma2 semaphore(%dma_wait3A_109 : memref<!tpu.dma_semaphore, #tpu.memory_space<semaphore_mem>>) src(%dma_wait3A_114 : memref<16x256x256xf32, #tpu.memory_space<any>>) dst(%arg5 : memref<16x256x256xf32, #tpu.memory_space<vmem>>)
    %dma_start3A_115 = arith.constant 1 : i32
    %dma_start3A_116 = arith.constant 3 : i32
    %dma_start3A_117 = tpu.memref_slice %arg9[%dma_start3A_116] : memref<6x!tpu.dma_semaphore, #tpu.memory_space<semaphore_mem>> -> memref<1x!tpu.dma_semaphore, #tpu.memory_space<semaphore_mem>>
    %dma_start3A_118 = tpu.memref_squeeze %dma_start3A_117 : memref<1x!tpu.dma_semaphore, #tpu.memory_space<semaphore_mem>> -> memref<!tpu.dma_semaphore, #tpu.memory_space<semaphore_mem>>
    %dma_start3A_119 = arith.constant 16 : i32
    %dma_start3A_120 = arith.constant 0 : i32
    %dma_start3A_121 = arith.constant 0 : i32
    %dma_start3A_122 = tpu.memref_slice %arg1[%dma_start3A_115, %dma_start3A_119, %dma_start3A_120, %dma_start3A_121] : memref<3x32x256x256xf32, #tpu.memory_space<any>> -> memref<1x16x256x256xf32, #tpu.memory_space<any>>
    %dma_start3A_123 = tpu.memref_squeeze %dma_start3A_122 : memref<1x16x256x256xf32, #tpu.memory_space<any>> -> memref<16x256x256xf32, #tpu.memory_space<any>>
    tpu.enqueue_dma source(%arg5 : memref<16x256x256xf32, #tpu.memory_space<vmem>>) target(%dma_start3A_123 : memref<16x256x256xf32, #tpu.memory_space<any>>) target_semaphore(%dma_start3A_118 : memref<!tpu.dma_semaphore, #tpu.memory_space<semaphore_mem>>)
    %dma_wait3A_124 = arith.constant 2 : i32
    %dma_wait3A_125 = arith.constant 4 : i32
    %dma_wait3A_126 = tpu.memref_slice %arg8[%dma_wait3A_125] : memref<6x!tpu.dma_semaphore, #tpu.memory_space<semaphore_mem>> -> memref<1x!tpu.dma_semaphore, #tpu.memory_space<semaphore_mem>>
    %dma_wait3A_127 = tpu.memref_squeeze %dma_wait3A_126 : memref<1x!tpu.dma_semaphore, #tpu.memory_space<semaphore_mem>> -> memref<!tpu.dma_semaphore, #tpu.memory_space<semaphore_mem>>
    %dma_wait3A_128 = arith.constant 0 : i32
    %dma_wait3A_129 = arith.constant 0 : i32
    %dma_wait3A_130 = arith.constant 0 : i32
    %dma_wait3A_131 = tpu.memref_slice %arg0[%dma_wait3A_124, %dma_wait3A_128, %dma_wait3A_129, %dma_wait3A_130] : memref<3x32x256x256xf32, #tpu.memory_space<any>> -> memref<1x16x256x256xf32, #tpu.memory_space<any>>
    %dma_wait3A_132 = tpu.memref_squeeze %dma_wait3A_131 : memref<1x16x256x256xf32, #tpu.memory_space<any>> -> memref<16x256x256xf32, #tpu.memory_space<any>>
    tpu.wait_dma2 semaphore(%dma_wait3A_127 : memref<!tpu.dma_semaphore, #tpu.memory_space<semaphore_mem>>) src(%dma_wait3A_132 : memref<16x256x256xf32, #tpu.memory_space<any>>) dst(%arg6 : memref<16x256x256xf32, #tpu.memory_space<vmem>>)
    %dma_start3A_133 = arith.constant 2 : i32
    %dma_start3A_134 = arith.constant 4 : i32
    %dma_start3A_135 = tpu.memref_slice %arg9[%dma_start3A_134] : memref<6x!tpu.dma_semaphore, #tpu.memory_space<semaphore_mem>> -> memref<1x!tpu.dma_semaphore, #tpu.memory_space<semaphore_mem>>
    %dma_start3A_136 = tpu.memref_squeeze %dma_start3A_135 : memref<1x!tpu.dma_semaphore, #tpu.memory_space<semaphore_mem>> -> memref<!tpu.dma_semaphore, #tpu.memory_space<semaphore_mem>>
    %dma_start3A_137 = arith.constant 0 : i32
    %dma_start3A_138 = arith.constant 0 : i32
    %dma_start3A_139 = arith.constant 0 : i32
    %dma_start3A_140 = tpu.memref_slice %arg1[%dma_start3A_133, %dma_start3A_137, %dma_start3A_138, %dma_start3A_139] : memref<3x32x256x256xf32, #tpu.memory_space<any>> -> memref<1x16x256x256xf32, #tpu.memory_space<any>>
    %dma_start3A_141 = tpu.memref_squeeze %dma_start3A_140 : memref<1x16x256x256xf32, #tpu.memory_space<any>> -> memref<16x256x256xf32, #tpu.memory_space<any>>
    tpu.enqueue_dma source(%arg6 : memref<16x256x256xf32, #tpu.memory_space<vmem>>) target(%dma_start3A_141 : memref<16x256x256xf32, #tpu.memory_space<any>>) target_semaphore(%dma_start3A_136 : memref<!tpu.dma_semaphore, #tpu.memory_space<semaphore_mem>>)
    %dma_wait3A_142 = arith.constant 2 : i32
    %dma_wait3A_143 = arith.constant 5 : i32
    %dma_wait3A_144 = tpu.memref_slice %arg8[%dma_wait3A_143] : memref<6x!tpu.dma_semaphore, #tpu.memory_space<semaphore_mem>> -> memref<1x!tpu.dma_semaphore, #tpu.memory_space<semaphore_mem>>
    %dma_wait3A_145 = tpu.memref_squeeze %dma_wait3A_144 : memref<1x!tpu.dma_semaphore, #tpu.memory_space<semaphore_mem>> -> memref<!tpu.dma_semaphore, #tpu.memory_space<semaphore_mem>>
    %dma_wait3A_146 = arith.constant 16 : i32
    %dma_wait3A_147 = arith.constant 0 : i32
    %dma_wait3A_148 = arith.constant 0 : i32
    %dma_wait3A_149 = tpu.memref_slice %arg0[%dma_wait3A_142, %dma_wait3A_146, %dma_wait3A_147, %dma_wait3A_148] : memref<3x32x256x256xf32, #tpu.memory_space<any>> -> memref<1x16x256x256xf32, #tpu.memory_space<any>>
    %dma_wait3A_150 = tpu.memref_squeeze %dma_wait3A_149 : memref<1x16x256x256xf32, #tpu.memory_space<any>> -> memref<16x256x256xf32, #tpu.memory_space<any>>
    tpu.wait_dma2 semaphore(%dma_wait3A_145 : memref<!tpu.dma_semaphore, #tpu.memory_space<semaphore_mem>>) src(%dma_wait3A_150 : memref<16x256x256xf32, #tpu.memory_space<any>>) dst(%arg7 : memref<16x256x256xf32, #tpu.memory_space<vmem>>)
    %dma_start3A_151 = arith.constant 2 : i32
    %dma_start3A_152 = arith.constant 5 : i32
    %dma_start3A_153 = tpu.memref_slice %arg9[%dma_start3A_152] : memref<6x!tpu.dma_semaphore, #tpu.memory_space<semaphore_mem>> -> memref<1x!tpu.dma_semaphore, #tpu.memory_space<semaphore_mem>>
    %dma_start3A_154 = tpu.memref_squeeze %dma_start3A_153 : memref<1x!tpu.dma_semaphore, #tpu.memory_space<semaphore_mem>> -> memref<!tpu.dma_semaphore, #tpu.memory_space<semaphore_mem>>
    %dma_start3A_155 = arith.constant 16 : i32
    %dma_start3A_156 = arith.constant 0 : i32
    %dma_start3A_157 = arith.constant 0 : i32
    %dma_start3A_158 = tpu.memref_slice %arg1[%dma_start3A_151, %dma_start3A_155, %dma_start3A_156, %dma_start3A_157] : memref<3x32x256x256xf32, #tpu.memory_space<any>> -> memref<1x16x256x256xf32, #tpu.memory_space<any>>
    %dma_start3A_159 = tpu.memref_squeeze %dma_start3A_158 : memref<1x16x256x256xf32, #tpu.memory_space<any>> -> memref<16x256x256xf32, #tpu.memory_space<any>>
    tpu.enqueue_dma source(%arg7 : memref<16x256x256xf32, #tpu.memory_space<vmem>>) target(%dma_start3A_159 : memref<16x256x256xf32, #tpu.memory_space<any>>) target_semaphore(%dma_start3A_154 : memref<!tpu.dma_semaphore, #tpu.memory_space<semaphore_mem>>)
    %dma_wait3A_160 = arith.constant 0 : i32
    %dma_wait3A_161 = arith.constant 0 : i32
    %dma_wait3A_162 = tpu.memref_slice %arg9[%dma_wait3A_161] : memref<6x!tpu.dma_semaphore, #tpu.memory_space<semaphore_mem>> -> memref<1x!tpu.dma_semaphore, #tpu.memory_space<semaphore_mem>>
    %dma_wait3A_163 = tpu.memref_squeeze %dma_wait3A_162 : memref<1x!tpu.dma_semaphore, #tpu.memory_space<semaphore_mem>> -> memref<!tpu.dma_semaphore, #tpu.memory_space<semaphore_mem>>
    %dma_wait3A_164 = arith.constant 0 : i32
    %dma_wait3A_165 = arith.constant 0 : i32
    %dma_wait3A_166 = arith.constant 0 : i32
    %dma_wait3A_167 = tpu.memref_slice %arg1[%dma_wait3A_160, %dma_wait3A_164, %dma_wait3A_165, %dma_wait3A_166] : memref<3x32x256x256xf32, #tpu.memory_space<any>> -> memref<1x16x256x256xf32, #tpu.memory_space<any>>
    %dma_wait3A_168 = tpu.memref_squeeze %dma_wait3A_167 : memref<1x16x256x256xf32, #tpu.memory_space<any>> -> memref<16x256x256xf32, #tpu.memory_space<any>>
    tpu.wait_dma2 semaphore(%dma_wait3A_163 : memref<!tpu.dma_semaphore, #tpu.memory_space<semaphore_mem>>) src(%arg2 : memref<16x256x256xf32, #tpu.memory_space<vmem>>) dst(%dma_wait3A_168 : memref<16x256x256xf32, #tpu.memory_space<any>>)
    %dma_wait3A_169 = arith.constant 0 : i32
    %dma_wait3A_170 = arith.constant 1 : i32
    %dma_wait3A_171 = tpu.memref_slice %arg9[%dma_wait3A_170] : memref<6x!tpu.dma_semaphore, #tpu.memory_space<semaphore_mem>> -> memref<1x!tpu.dma_semaphore, #tpu.memory_space<semaphore_mem>>
    %dma_wait3A_172 = tpu.memref_squeeze %dma_wait3A_171 : memref<1x!tpu.dma_semaphore, #tpu.memory_space<semaphore_mem>> -> memref<!tpu.dma_semaphore, #tpu.memory_space<semaphore_mem>>
    %dma_wait3A_173 = arith.constant 16 : i32
    %dma_wait3A_174 = arith.constant 0 : i32
    %dma_wait3A_175 = arith.constant 0 : i32
    %dma_wait3A_176 = tpu.memref_slice %arg1[%dma_wait3A_169, %dma_wait3A_173, %dma_wait3A_174, %dma_wait3A_175] : memref<3x32x256x256xf32, #tpu.memory_space<any>> -> memref<1x16x256x256xf32, #tpu.memory_space<any>>
    %dma_wait3A_177 = tpu.memref_squeeze %dma_wait3A_176 : memref<1x16x256x256xf32, #tpu.memory_space<any>> -> memref<16x256x256xf32, #tpu.memory_space<any>>
    tpu.wait_dma2 semaphore(%dma_wait3A_172 : memref<!tpu.dma_semaphore, #tpu.memory_space<semaphore_mem>>) src(%arg3 : memref<16x256x256xf32, #tpu.memory_space<vmem>>) dst(%dma_wait3A_177 : memref<16x256x256xf32, #tpu.memory_space<any>>)
    %dma_wait3A_178 = arith.constant 1 : i32
    %dma_wait3A_179 = arith.constant 2 : i32
    %dma_wait3A_180 = tpu.memref_slice %arg9[%dma_wait3A_179] : memref<6x!tpu.dma_semaphore, #tpu.memory_space<semaphore_mem>> -> memref<1x!tpu.dma_semaphore, #tpu.memory_space<semaphore_mem>>
    %dma_wait3A_181 = tpu.memref_squeeze %dma_wait3A_180 : memref<1x!tpu.dma_semaphore, #tpu.memory_space<semaphore_mem>> -> memref<!tpu.dma_semaphore, #tpu.memory_space<semaphore_mem>>
    %dma_wait3A_182 = arith.constant 0 : i32
    %dma_wait3A_183 = arith.constant 0 : i32
    %dma_wait3A_184 = arith.constant 0 : i32
    %dma_wait3A_185 = tpu.memref_slice %arg1[%dma_wait3A_178, %dma_wait3A_182, %dma_wait3A_183, %dma_wait3A_184] : memref<3x32x256x256xf32, #tpu.memory_space<any>> -> memref<1x16x256x256xf32, #tpu.memory_space<any>>
    %dma_wait3A_186 = tpu.memref_squeeze %dma_wait3A_185 : memref<1x16x256x256xf32, #tpu.memory_space<any>> -> memref<16x256x256xf32, #tpu.memory_space<any>>
    tpu.wait_dma2 semaphore(%dma_wait3A_181 : memref<!tpu.dma_semaphore, #tpu.memory_space<semaphore_mem>>) src(%arg4 : memref<16x256x256xf32, #tpu.memory_space<vmem>>) dst(%dma_wait3A_186 : memref<16x256x256xf32, #tpu.memory_space<any>>)
    %dma_wait3A_187 = arith.constant 1 : i32
    %dma_wait3A_188 = arith.constant 3 : i32
    %dma_wait3A_189 = tpu.memref_slice %arg9[%dma_wait3A_188] : memref<6x!tpu.dma_semaphore, #tpu.memory_space<semaphore_mem>> -> memref<1x!tpu.dma_semaphore, #tpu.memory_space<semaphore_mem>>
    %dma_wait3A_190 = tpu.memref_squeeze %dma_wait3A_189 : memref<1x!tpu.dma_semaphore, #tpu.memory_space<semaphore_mem>> -> memref<!tpu.dma_semaphore, #tpu.memory_space<semaphore_mem>>
    %dma_wait3A_191 = arith.constant 16 : i32
    %dma_wait3A_192 = arith.constant 0 : i32
    %dma_wait3A_193 = arith.constant 0 : i32
    %dma_wait3A_194 = tpu.memref_slice %arg1[%dma_wait3A_187, %dma_wait3A_191, %dma_wait3A_192, %dma_wait3A_193] : memref<3x32x256x256xf32, #tpu.memory_space<any>> -> memref<1x16x256x256xf32, #tpu.memory_space<any>>
    %dma_wait3A_195 = tpu.memref_squeeze %dma_wait3A_194 : memref<1x16x256x256xf32, #tpu.memory_space<any>> -> memref<16x256x256xf32, #tpu.memory_space<any>>
    tpu.wait_dma2 semaphore(%dma_wait3A_190 : memref<!tpu.dma_semaphore, #tpu.memory_space<semaphore_mem>>) src(%arg5 : memref<16x256x256xf32, #tpu.memory_space<vmem>>) dst(%dma_wait3A_195 : memref<16x256x256xf32, #tpu.memory_space<any>>)
    %dma_wait3A_196 = arith.constant 2 : i32
    %dma_wait3A_197 = arith.constant 4 : i32
    %dma_wait3A_198 = tpu.memref_slice %arg9[%dma_wait3A_197] : memref<6x!tpu.dma_semaphore, #tpu.memory_space<semaphore_mem>> -> memref<1x!tpu.dma_semaphore, #tpu.memory_space<semaphore_mem>>
    %dma_wait3A_199 = tpu.memref_squeeze %dma_wait3A_198 : memref<1x!tpu.dma_semaphore, #tpu.memory_space<semaphore_mem>> -> memref<!tpu.dma_semaphore, #tpu.memory_space<semaphore_mem>>
    %dma_wait3A_200 = arith.constant 0 : i32
    %dma_wait3A_201 = arith.constant 0 : i32
    %dma_wait3A_202 = arith.constant 0 : i32
    %dma_wait3A_203 = tpu.memref_slice %arg1[%dma_wait3A_196, %dma_wait3A_200, %dma_wait3A_201, %dma_wait3A_202] : memref<3x32x256x256xf32, #tpu.memory_space<any>> -> memref<1x16x256x256xf32, #tpu.memory_space<any>>
    %dma_wait3A_204 = tpu.memref_squeeze %dma_wait3A_203 : memref<1x16x256x256xf32, #tpu.memory_space<any>> -> memref<16x256x256xf32, #tpu.memory_space<any>>
    tpu.wait_dma2 semaphore(%dma_wait3A_199 : memref<!tpu.dma_semaphore, #tpu.memory_space<semaphore_mem>>) src(%arg6 : memref<16x256x256xf32, #tpu.memory_space<vmem>>) dst(%dma_wait3A_204 : memref<16x256x256xf32, #tpu.memory_space<any>>)
    %dma_wait3A_205 = arith.constant 2 : i32
    %dma_wait3A_206 = arith.constant 5 : i32
    %dma_wait3A_207 = tpu.memref_slice %arg9[%dma_wait3A_206] : memref<6x!tpu.dma_semaphore, #tpu.memory_space<semaphore_mem>> -> memref<1x!tpu.dma_semaphore, #tpu.memory_space<semaphore_mem>>
    %dma_wait3A_208 = tpu.memref_squeeze %dma_wait3A_207 : memref<1x!tpu.dma_semaphore, #tpu.memory_space<semaphore_mem>> -> memref<!tpu.dma_semaphore, #tpu.memory_space<semaphore_mem>>
    %dma_wait3A_209 = arith.constant 16 : i32
    %dma_wait3A_210 = arith.constant 0 : i32
    %dma_wait3A_211 = arith.constant 0 : i32
    %dma_wait3A_212 = tpu.memref_slice %arg1[%dma_wait3A_205, %dma_wait3A_209, %dma_wait3A_210, %dma_wait3A_211] : memref<3x32x256x256xf32, #tpu.memory_space<any>> -> memref<1x16x256x256xf32, #tpu.memory_space<any>>
    %dma_wait3A_213 = tpu.memref_squeeze %dma_wait3A_212 : memref<1x16x256x256xf32, #tpu.memory_space<any>> -> memref<16x256x256xf32, #tpu.memory_space<any>>
    tpu.wait_dma2 semaphore(%dma_wait3A_208 : memref<!tpu.dma_semaphore, #tpu.memory_space<semaphore_mem>>) src(%arg7 : memref<16x256x256xf32, #tpu.memory_space<vmem>>) dst(%dma_wait3A_213 : memref<16x256x256xf32, #tpu.memory_space<any>>)
    return
  }
}

</mosaic_0001>

<sc_bundles>
// kernel: kernel.4.cloned.1.call-start
scs
__scs_entry_jumppad:
0x0: {  	(pc) =	sbr.rel $0x88, $3  }
0x1: {  	(tag) =	ssettag $0x0;
	lr =	simm.s32 $0x1  }
0x2: {  	[smem:$0x3FA0] =	sst lr;
	_ =	strace $0xD0000000  }
0x3: {  	_ = 	snop  }
0x4: {  	_ = 	snop  }
0x5: {  	_ = 	snop  }
0x6: {  	_ = 	snop  }
0x7: {  	_ = 	snop  }
__scs_overlays_trampoline_lowered:
0x8: {  	[smem:$0x3FAF] =	sst s0  }
0x9: {  	[smem:$0x3FB0] =	sst s1  }
0xa: {  	[smem:$0x3FB1] =	sst s2  }
0xb: {  	[smem:$0x3FB2] =	sst s3  }
0xc: {  	[smem:$0x3FB3] =	sst s4  }
0xd: {  	[smem:$0x3FB4] =	sst s5  }
0xe: {  	[smem:$0x3FB5] =	sst s6  }
0xf: {  	[smem:$0x3FB6] =	sst s7  }
0x10: {  	[smem:$0x3FB7] =	sst s8  }
0x11: {  	[smem:$0x3FB8] =	sst s9;
	s0 =	simm.s32 @!p0 $0x0  }
0x12: {  	s1 =	sld [smem:$0x3F9E];
	s0 =	simm.s32 @p0 $0x1  }
0x13: {  	[smem:$0x3FB9] =	sst s0;
	s0 =	simm.s32 @!p1 $0x0  }
0x14: {  	s2 =	sld [smem:$0x3F9D];
	s0 =	simm.s32 @p1 $0x1  }
0x15: {  	[smem:$0x3FBA] =	sst s0;
	s0 =	simm.s32 @!p2 $0x0  }
0x16: {  	s3 =	sld [smem:$0x3FDB];
	s0 =	simm.s32 @p2 $0x1  }
0x17: {  	s4 =	simm.s32 $0x1BF5;
	[smem:$0x3FBC] =	sst s0  }
0x18: {  	s0 =	sld [smem:$0x3F9F];
	_ =	swait.ge [sflag:s4], $0x0  }
0x19: {  	s7 =	sld [smem:$0x3FA0]  }
0x1a: {  	s8 =	sadd.s32 $0xFFFFE003, lr  }
0x1b: {  	s9 =	sadd.s32 $0xFFFFFEF7, lr;
	s5 =	simm.s32 $0xFFFFFFFF;
	p2 =	slt.u32 s8, $0xFFFFF086  }
0x1c: {  	p1 =	slt.u32 s9, $0xF7A;
	s5 =	simm.s32 @!p2 $0x0  }
0x1d: {  	s5 =	simm.s32 @p1 $0x1;
	p0 =	seq.s32 s7, s2  }
0x1e: {  	s7 =	smul.u32 @!p0 $0xF7A, s2;
	p2 =	seq.s32 @!p0 s5, $0x0  }
0x1f: {  	s9 =	smul.u32 $0xF7A, s1;
	s8 =	simm.s32 @!p0 $0x1BF5;
	p2 =	por !p2, p0  }
0x20: {  	[sflag:s8] =	ssyncset.s32 @!p0 $0xFFFFF086;
	s6 =	sadd.s32 @!p0 s3, s7;
	s7 =	simm.s32 @!p0 $0x108  }
0x21: {  	s3 =	sadd.s32 s3, s9;
	s6 =	sadd.s32 @!p0 $0x88, s6;
	s7 =	simm.s32 @p2 $0x1082  }
0x22: {  	[simem:s7], [sflag:s8] =	dma.local @!p0 [hbm:s6], $0xF7A  }
0x23: {  	s9 =	sor.u32 $0xD0000000, s2;
	s6 =	simm.s32 $0x108;
	_ =	swait.ge @!p0 [sflag:s8], $0x0  }
0x24: {  	s3 =	sadd.s32 $0x88, s3;
	s6 =	simm.s32 @!p1 $0x1082;
	[sflag:s4] =	ssyncset.s32 $0xFFFFF086  }
0x25: {  	[simem:s6], [sflag:s4] =	dma.local [hbm:s3], $0xF7A  }
0x26: {  	[smem:$0x3FA0] =	sst s1;
	(tag) =	ssettag s2;
	_ =	strace s9  }
0x27: {  	s1 =	sld [smem:$0x3FB0]  }
0x28: {  	s2 =	sld [smem:$0x3FB1]  }
0x29: {  	s4 =	sld [smem:$0x3FB3]  }
0x2a: {  	p0 =	seq.s32 s5, $0x0;
	s5 =	sld [smem:$0x3FB4]  }
0x2b: {  	s6 =	sld [smem:$0x3FB5]  }
0x2c: {  	s7 =	sld [smem:$0x3FB6]  }
0x2d: {  	s3 =	simm.s32 $0x108;
	s8 =	sld [smem:$0x3FB7]  }
0x2e: {  	s3 =	simm.s32 @!p0 $0x1082;
	s9 =	sld [smem:$0x3FB8]  }
0x2f: {  	lr =	sadd.s32 s0, s3;
	s0 =	sld [smem:$0x3FAF]  }
0x30: {  	s3 =	sld [smem:$0x3FB2]  }
0x31: {  	[smem:$0x3FBB] =	sst s10  }
0x32: {  	s10 =	sld [smem:$0x3FB9];
	_ =	sdelay $0x3  }
0x33: {  	p0 =	seq.s32 s10, $0x1;
	s10 =	sld [smem:$0x3FBB];
	_ =	sdelay $0x3  }
0x34: {  	[smem:$0x3FBB] =	sst s10  }
0x35: {  	s10 =	sld [smem:$0x3FBA];
	_ =	sdelay $0x3  }
0x36: {  	p1 =	seq.s32 s10, $0x1;
	s10 =	sld [smem:$0x3FBB];
	_ =	sdelay $0x3  }
0x37: {  	[smem:$0x3FBB] =	sst s10  }
0x38: {  	s10 =	sld [smem:$0x3FBC]  }
0x39: {  	_ = 	snop;
	(pc) =	sbr.ind lr, $3  }
0x3a: {  	_ = 	snop  }
0x3b: {  	_ = 	snop  }
0x3c: {  	p2 =	seq.s32 s10, $0x1;
	s10 =	sld [smem:$0x3FBB]  }
0x3d: {  	_ =	shalt  }
0x3e: {  	_ =	shalt  }
0x3f: {  	_ =	shalt  }
0x40: {  	_ =	shalt  }
0x41: {  	_ =	shalt  }
0x42: {  	_ =	shalt  }
0x43: {  	_ =	shalt  }
0x44: {  	_ =	shalt  }
0x45: {  	_ =	shalt  }
0x46: {  	_ =	shalt  }
0x47: {  	_ =	shalt  }
0x48: {  	_ =	shalt  }
0x49: {  	_ =	shalt  }
0x4a: {  	_ =	shalt  }
0x4b: {  	_ =	shalt  }
0x4c: {  	_ =	shalt  }
0x4d: {  	_ =	shalt  }
0x4e: {  	_ =	shalt  }
0x4f: {  	_ =	shalt  }
0x50: {  	_ =	shalt  }
0x51: {  	_ =	shalt  }
0x52: {  	_ =	shalt  }
0x53: {  	_ =	shalt  }
0x54: {  	_ =	shalt  }
0x55: {  	_ =	shalt  }
0x56: {  	_ =	shalt  }
0x57: {  	_ =	shalt  }
0x58: {  	_ =	shalt  }
0x59: {  	_ =	shalt  }
0x5a: {  	_ =	shalt  }
0x5b: {  	_ =	shalt  }
0x5c: {  	_ =	shalt  }
0x5d: {  	_ =	shalt  }
0x5e: {  	_ =	shalt  }
0x5f: {  	_ =	shalt  }
0x60: {  	_ =	shalt  }
0x61: {  	_ =	shalt  }
0x62: {  	_ =	shalt  }
0x63: {  	_ =	shalt  }
0x64: {  	_ =	shalt  }
0x65: {  	_ =	shalt  }
0x66: {  	_ =	shalt  }
0x67: {  	_ =	shalt  }
0x68: {  	_ =	shalt  }
0x69: {  	_ =	shalt  }
0x6a: {  	_ =	shalt  }
0x6b: {  	_ =	shalt  }
0x6c: {  	_ =	shalt  }
0x6d: {  	_ =	shalt  }
0x6e: {  	_ =	shalt  }
0x6f: {  	_ =	shalt  }
0x70: {  	_ =	shalt  }
0x71: {  	_ =	shalt  }
0x72: {  	_ =	shalt  }
0x73: {  	_ =	shalt  }
0x74: {  	_ =	shalt  }
0x75: {  	_ =	shalt  }
0x76: {  	_ =	shalt  }
0x77: {  	_ =	shalt  }
0x78: {  	_ =	shalt  }
0x79: {  	_ =	shalt  }
0x7a: {  	_ =	shalt  }
0x7b: {  	_ =	shalt  }
0x7c: {  	_ =	shalt  }
0x7d: {  	_ =	shalt  }
0x7e: {  	_ =	shalt  }
0x7f: {  	_ =	shalt  }
0x80: {  	_ =	shalt  }
0x81: {  	_ =	shalt  }
0x82: {  	_ =	shalt  }
0x83: {  	_ =	shalt  }
0x84: {  	_ =	shalt  }
0x85: {  	_ =	shalt  }
0x86: {  	_ =	shalt  }
0x87: {  	_ =	shalt  }
.Lfunc_end0:
.L_simem_size_0:
called_computation_lowered:
.L_overlay_start_0:
0x88: {  	s2 =	sld [smem:$0x3FD9]  }
0x89: {  	s3 =	sld [smem:$0x3FFE];
	_ =	sdelay $0x1  }
0x8a: {  	s1 =	srdreg.scid  }
0x8b: {  	s0 =	sand.u32 $0x1, s1  }
0x8c: {  	s15 =	sshll.u32 s0, $0xA;
	s2 =	sadd.s32 s3, s2  }
0x8d: {  	s2 =	sadd.s32 s2, s15  }
0x8e: {  	[smem:$0x3FC7] =	sst s2  }
0x8f: {  	_ = 	snop  }
0x90: {  	s2 =	sld [smem:$0x3FD0];
	_ =	sdelay $0x2  }
0x91: {  	s4 =	simm.s32 $0xA;
	s5 =	simm.s32 $0x10;
	s16 =	sld [smem:$0x3FC9]  }
0x92: {  	[smem:s5], [sflag:s4] =	dma.local [hbm:s2], $0x1  }
0x93: {  	_ =	swait.eq [sflag:s4], $0x1  }
0x94: {  	[sflag:s4] =	ssyncset.done $0x0  }
0x95: {  	[sflag:s4] =	ssyncadd.s32 $0xFFFFFFFF  }
0x96: {  	s17 =	sld [smem:$0x10];
	(tm) =	ssettm $0x1  }
0x97: {  	s18 =	sld [smem:$0x3FFB];
	_ =	sdelay $0x3  }
0x98: {  	_ =	strace s18  }
0x99: {  	s4 =	sld [smem:$0x3FFC];
	_ =	sdelay $0x3  }
0x9a: {  	_ =	strace s4  }
0x9b: {  	s4 =	sld [smem:$0x3FFD];
	_ =	sdelay $0x3  }
0x9c: {  	_ =	strace s4  }
0x9d: {  	_ =	strace $0x8FFFFFFF  }
0x9e: {  	s19 =	sld [smem:$0x3FDB];
	_ =	sdelay $0x1  }
0x9f: {  	s20 =	simm.s32 $_scs_section_size  }
0xa0: {  	s6 =	simm.s32 $_size__tile_overlayer_lowered;
	s7 =	simm.s32 $_tile_overlayer_lowered  }
0xa1: {  	s23 =	simm.s32 $0x1BFF;
	s22 =	sshll.u32 s7, $0x1;
	s4 =	sadd.s32 s20, s19  }
0xa2: {  	s8 =	simm.s32 $0x0;
	s21 =	sshll.u32 s6, $0x1;
	s6 =	sadd.s32 s22, s4  }
0xa3: {  	[timem:s8], [sflag:s23] =	dma.local [hbm:s6], s21  }
0xa4: {  	_ =	swait.ge [sflag:s23], s21  }
0xa5: {  	s5 =	ssub.s32 $0x0, s21;
	[sflag:s23] =	ssyncset.done $0x0  }
0xa6: {  	[sflag:s23] =	ssyncadd.s32 s5;
	_ =	sdelay $0x1  }
0xa7: {  	s24 =	simm.s32 $0x1B8B  }
0xa8: {  	_ =	swait.ge [sflag:s24], $0x1  }
0xa9: {  	[sflag:s24] =	ssyncset.done $0x0  }
0xaa: {  	s25 =	simm.s32 $0x1B8E;
	[sflag:s24] =	ssyncadd.s32 $0xFFFFFFFF  }
0xab: {  	s26 =	simm.s32 $execute0_lowered;
	[smem:$0x3FD2] =	sst s25  }
0xac: {  	s5 =	sshll.u32 s26, $0x1;
	_ =	strace $0x80000046;
	[dreg:$0x1] =	wrdreg $0xFFFFFFFF  }
0xad: {  	s28 =	simm.s32 $_size_execute0_lowered;
	s4 =	sadd.s32 s4, s5;
	[dreg:$0x0] =	wrdreg $0x0  }
0xae: {  	s5 =	sshll.u32 s28, $0x1;
	[dreg:$0x2] =	wrdreg s4  }
0xaf: {  	[dreg:$0x3] =	wrdreg s5  }
0xb0: {  	[dreg:$0x4] =	wrdreg $0xC0  }
0xb1: {  	_ =	task [dreg:s8], $0x5FFFF  }
0xb2: {  	[dreg:$0x1] =	wrdreg $0xFFFFFFFF  }
0xb3: {  	[dreg:$0x0] =	wrdreg $0x60  }
0xb4: {  	[dreg:$0x2] =	wrdreg s16  }
0xb5: {  	[dreg:$0x3] =	wrdreg s17  }
0xb6: {  	[dreg:$0x4] =	wrdreg $0x9  }
0xb7: {  	_ =	task.clear_ibuf [dreg:s8], $0x5FFFF;
	_ =	strace $0x90000046  }
0xb8: {  	s29 =	simm.s32 $0x9;
	_ =	strace $0x80000048  }
0xb9: {  	_ =	swait.ge [sflag:s29], $0x1  }
0xba: {  	[sflag:s29] =	ssyncadd.s32 $0xFFFFFFFF  }
0xbb: {  	_ =	strace $0x90000048  }
0xbc: {  	_ =	sfence  }
0xbd: {  	s30 =	sld [smem:$0x0];
	_ =	sdelay $0x2  }
0xbe: {  	s31 =	sshll.u32 s1, $0xD;
	s1 =	sshrl.u32 s1, $0x2  }
0xbf: {  	s3 =	sand.u32 $0x4000, s31;
	s1 =	sadd.s32 s1, s30  }
0xc0: {  	s0 =	sor.u32 s3, s0;
	s1 =	sshll.u32 s1, $0x11  }
0xc1: {  	s0 =	sor.u32 s1, s0  }
0xc2: {  	s0 =	sadd.s32 $0x8F2B, s0  }
0xc3: {  	[sflag:s0] =	ssyncadd.remote.s32 $0x1  }
0xc4: {  	_ =	sfence.sel $0xFFFF  }
0xc5: {  	[dreg:$0x0] =	wrdreg $0xFFFFFFFF;
	(pc) =	sbr.abs _section_cstart, $3  }
0xc6: {  	[dreg:$0x1] =	wrdreg $0xFFFFFFFF  }
0xc7: {  	_ =	task.clear_ibuf [dreg:s8], $0x2FFFF;
	_ =	strace $0x9FFFFFFF  }
0xc8: {  	(tm) =	ssettm $0x7FFFFFFF  }
0xc9: {  	_ =	shalt  }
tec
execute0_lowered:
.L_overlay_start_1:
0x0: {  	(tag) =	ssettag $0x1  }
0x1: {  	s1 =	srdreg.scid;
	s0 =	stileid.u32  }
0x2: {  	s6 =	sand.u32 $0x1, s1;
	s23 =	sshll.u32 s0, $0x1  }
0x3: {  	s5 =	rddreg [dreg:$0x0];
	s3 =	sor.u32 s6, s23  }
0x4: {  	s10 =	rddreg [dreg:$0x1];
	s2 =	simm.s32 $0x0;
	s4 =	smul.u32 $0x3, s3  }
0x5: {  	[smem:$0x7FF] =	sst s2;
	s3 =	smul.u32 $0xC000, s3  }
0x6: {  	s1 =	rddreg [dreg:$0x2];
	_ =	strace $0x80000047;
	s24 =	sshrl.u32 s4, $0x2  }
0x7: {  	s11 =	sshrl.u32 s4, $0x5;
	s12 =	sand.u32 $0xC000, s3;
	s7 =	sand.u32 $0x7, s24  }
0x8: {  	s26 =	sadd.s32 $0x1, s4;
	s4 =	sadd.s32 $0x2, s4;
	s8 =	smul.u32 $0x47B, s7  }
0x9: {  	s13 =	sshll.u32 s11, $0x15;
	s14 =	sshrl.u32 s26, $0x2;
	s9 =	smul.u32 $0x1F, s7  }
0xa: {  	s15 =	sshrl.u32 s4, $0x2;
	s18 =	sshrl.u32 s26, $0x5;
	s8 =	sshrl.u32 s8, $0x8  }
0xb: {  	s22 =	sshrl.u32 s4, $0x5;
	s4 =	sshll.u32 s4, $0xE;
	s9 =	ssub.s32 s9, s8  }
0xc: {  	s11 =	sshll.u32 s11, $0x13;
	s15 =	sand.u32 $0x7, s15;
	s25 =	sand.u32 $0xFE, s9  }
0xd: {  	s21 =	sshll.u32 s18, $0x15;
	s29 =	smul.u32 $0x47B, s15;
	s3 =	sshrl.u32 s25, $0x1  }
0xe: {  	s17 =	smul.u32 $0x1F, s15;
	s3 =	sadd.s32 s8, s3;
	s8 =	sand.u32 $0x7, s14  }
0xf: {  	s23 =	sshll.u32 s22, $0x15;
	s7 =	sshll.u32 s7, $0x10;
	s14 =	smul.u32 $0x47B, s8  }
0x10: {  	s7 =	sor.u32 s11, s7;
	s3 =	sshll.u32 s3, $0xE;
	s16 =	smul.u32 $0x1F, s8  }
0x11: {  	s11 =	sor.u32 s12, s7;
	s3 =	sand.u32 $0x3F0000, s3;
	s28 =	sshrl.u32 s14, $0x8  }
0x12: {  	s3 =	sadd.s32 s13, s3;
	s14 =	sshrl.u32 s29, $0x8;
	s16 =	ssub.s32 s16, s28  }
0x13: {  	s3 =	sor.u32 s12, s3;
	s17 =	ssub.s32 s17, s14;
	s16 =	sand.u32 $0xFE, s16  }
0x14: {  	s3 =	sshrl.u32 s3, $0x3;
	s30 =	sand.u32 $0xFE, s17;
	s16 =	sshrl.u32 s16, $0x1  }
0x15: {  	s20 =	sshrl.u32 s30, $0x1;
	s3 =	sadd.s32 s5, s3;
	s13 =	sadd.s32 s28, s16  }
0x16: {  	[tilespmem:s2], [sflag:$0x1] =	stream.linear.gather [hbm4b:s3+s2], $0x4000, $0x38;
	[tilespmem:$0xC000] =	vst v63  }
0x17: {  	s9 =	sshll.u32 s26, $0xE;
	s19 =	sshll.u32 s13, $0xE;
	s13 =	sadd.s32 s14, s20  }
0x18: {  	s31 =	sand.u32 $0xC000, s9;
	s9 =	sand.u32 $0x3F0000, s19;
	s13 =	sshll.u32 s13, $0xE  }
0x19: {  	s7 =	simm.s32 $0x4000;
	s9 =	sadd.s32 s21, s9;
	s13 =	sand.u32 $0x3F0000, s13  }
0x1a: {  	s19 =	sand.u32 $0xC000, s4;
	s9 =	sor.u32 s31, s9;
	s24 =	sadd.s32 s23, s13  }
0x1b: {  	s26 =	sshll.u32 s18, $0x13;
	s9 =	sshrl.u32 s9, $0x3;
	s4 =	sor.u32 s19, s24  }
0x1c: {  	s28 =	sshll.u32 s8, $0x10;
	s25 =	sshrl.u32 s4, $0x3;
	s4 =	sadd.s32 s5, s9  }
0x1d: {  	[tilespmem:s7], [sflag:$0x2] =	stream.linear.gather [hbm4b:s4+s2], $0x4000, $0x38;
	[tilespmem:$0xC000] =	vst v63  }
0x1e: {  	s8 =	simm.s32 $0x8000;
	s9 =	simm.s32 $0x1;
	s5 =	sadd.s32 s5, s25  }
0x1f: {  	[tilespmem:s8], [sflag:$0x3] =	stream.linear.gather [hbm4b:s5+s2], $0x4000, $0x38;
	[tilespmem:$0xC000] =	vst v63  }
0x20: {  	s11 =	sshrl.u32 s11, $0x3;
	s12 =	sor.u32 s26, s28;
	_ =	swait.ge [sflag:s9], $0x4000  }
0x21: {  	s11 =	sadd.s32 s10, s11;
	s12 =	sor.u32 s31, s12;
	[sflag:s9] =	ssyncset.done $0x0  }
0x22: {  	s29 =	sshrl.u32 s12, $0x3;
	s12 =	simm.s32 $0x2;
	[sflag:s9] =	ssyncadd.s32 $0xFFFFC000  }
0x23: {  	[hbm4b:s11+s2] =	stream.linear.scatter [tilespmem:s2], [sflag:$0x4], $0x4000, $0x38;
	[tilespmem:$0xC000] =	vst v63  }
0x24: {  	s15 =	sshll.u32 s15, $0x10;
	s14 =	sshll.u32 s22, $0x13;
	_ =	swait.ge [sflag:s12], $0x4000  }
0x25: {  	s15 =	sor.u32 s14, s15;
	[sflag:s12] =	ssyncset.done $0x0  }
0x26: {  	s14 =	simm.s32 $0x3;
	s13 =	sadd.s32 s10, s29;
	[sflag:s12] =	ssyncadd.s32 $0xFFFFC000  }
0x27: {  	[hbm4b:s13+s2] =	stream.linear.scatter [tilespmem:s7], [sflag:$0x5], $0x4000, $0x38;
	[tilespmem:$0xC000] =	vst v63  }
0x28: {  	s30 =	ssub.s32 $0x2, s6;
	s15 =	sor.u32 s19, s15;
	_ =	swait.ge [sflag:s14], $0x4000  }
0x29: {  	s15 =	sshrl.u32 s15, $0x3;
	s31 =	sshrl.u32 s30, $0x1;
	[sflag:s14] =	ssyncset.done $0x0  }
0x2a: {  	s10 =	sadd.s32 s10, s15;
	s15 =	simm.s32 $0x4;
	[sflag:s14] =	ssyncadd.s32 $0xFFFFC000  }
0x2b: {  	[hbm4b:s10+s2] =	stream.linear.scatter [tilespmem:s8], [sflag:$0x6], $0x4000, $0x38;
	[tilespmem:$0xC000] =	vst v63  }
0x2c: {  	s16 =	ssub.s32 s30, s31;
	_ =	swait.ge [sflag:s15], $0x4000  }
0x2d: {  	s17 =	smax.u32 s16, $0x1;
	[sflag:s15] =	ssyncset.done $0x0  }
0x2e: {  	s6 =	simm.s32 $0x5;
	p0 =	sne.s32 s17, $0x1;
	[sflag:s15] =	ssyncadd.s32 $0xFFFFC000  }
.Ltmp0:
0x2f: {  	_ =	swait.ge [sflag:s6], $0x4000;
	(pc) =	sbr.rel @!p0 .LBB2_2-.Ltmp0, $4  }
0x30: {  	[sflag:s6] =	ssyncset.done $0x0  }
0x31: {  	s16 =	simm.s32 $0x6;
	[sflag:s6] =	ssyncadd.s32 $0xFFFFC000  }
0x32: {  	_ =	swait.ge [sflag:s16], $0x4000  }
0x33: {  	s17 =	sadd.s32 $0xFFFFFFFF, s17;
	[sflag:s16] =	ssyncset.done $0x0  }
.LBB2_1:
0x34: {  	p0 =	sne.s32 s17, $0x1;
	s17 =	sadd.s32 $0xFFFFFFFF, s17;
	[sflag:s16] =	ssyncadd.s32 $0xFFFFC000  }
0x35: {  	[tilespmem:s2], [sflag:$0x1] =	stream.linear.gather [hbm4b:s3+s2], $0x4000, $0x38;
	[tilespmem:$0xC000] =	vst v63  }
0x36: {  	_ = 	snop  }
0x37: {  	[tilespmem:s7], [sflag:$0x2] =	stream.linear.gather [hbm4b:s4+s2], $0x4000, $0x38;
	[tilespmem:$0xC000] =	vst v63  }
0x38: {  	_ = 	snop  }
0x39: {  	[tilespmem:s8], [sflag:$0x3] =	stream.linear.gather [hbm4b:s5+s2], $0x4000, $0x38;
	[tilespmem:$0xC000] =	vst v63  }
0x3a: {  	_ =	swait.ge [sflag:s9], $0x4000  }
0x3b: {  	[sflag:s9] =	ssyncset.done $0x0  }
0x3c: {  	[sflag:s9] =	ssyncadd.s32 $0xFFFFC000  }
0x3d: {  	[hbm4b:s11+s2] =	stream.linear.scatter [tilespmem:s2], [sflag:$0x4], $0x4000, $0x38;
	[tilespmem:$0xC000] =	vst v63  }
0x3e: {  	_ =	swait.ge [sflag:s12], $0x4000  }
0x3f: {  	[sflag:s12] =	ssyncset.done $0x0  }
0x40: {  	[sflag:s12] =	ssyncadd.s32 $0xFFFFC000  }
0x41: {  	[hbm4b:s13+s2] =	stream.linear.scatter [tilespmem:s7], [sflag:$0x5], $0x4000, $0x38;
	[tilespmem:$0xC000] =	vst v63  }
0x42: {  	_ =	swait.ge [sflag:s14], $0x4000  }
0x43: {  	[sflag:s14] =	ssyncset.done $0x0  }
0x44: {  	[sflag:s14] =	ssyncadd.s32 $0xFFFFC000  }
0x45: {  	[hbm4b:s10+s2] =	stream.linear.scatter [tilespmem:s8], [sflag:$0x6], $0x4000, $0x38;
	[tilespmem:$0xC000] =	vst v63  }
0x46: {  	_ =	swait.ge [sflag:s15], $0x4000  }
0x47: {  	[sflag:s15] =	ssyncset.done $0x0  }
0x48: {  	[sflag:s15] =	ssyncadd.s32 $0xFFFFC000  }
.Ltmp1:
0x49: {  	_ =	swait.ge [sflag:s6], $0x4000;
	(pc) =	sbr.rel @p0 .LBB2_1-.Ltmp1, $4  }
0x4a: {  	[sflag:s6] =	ssyncset.done $0x0  }
0x4b: {  	[sflag:s6] =	ssyncadd.s32 $0xFFFFC000  }
0x4c: {  	_ =	swait.ge [sflag:s16], $0x4000  }
0x4d: {  	[sflag:s16] =	ssyncset.done $0x0  }
.LBB2_2:
0x4e: {  	[sflag:s16] =	ssyncadd.s32 $0xFFFFC000  }
0x4f: {  	_ =	sfence.sel $0x180000  }
0x50: {  	[bflag:$0x0] =	sbarrier.arrive $0xFFFF  }
0x51: {  	p0 =	sne.s32 s0, $0x0;
	_ =	strace $0x90000047  }
0x52: {  	s0 =	sadd.s32 @!p0 $0x100000, s1;
	[bflag:$0x2] =	sbarrier.arrive $0xFFFF  }
0x53: {  	[sflag:s0] =	ssyncadd.tile.s32 @!p0 $0x1;
	_ =	shalt  }
.Lfunc_end2:
_tile_overlayer_lowered:
.L_overlay_start_2:
0x54: {  	(tag) =	ssettag $0x2  }
0x55: {  	s0 =	rddreg [dreg:$0x0];
	s2 =	stileid.u32  }
0x56: {  	s1 =	rddreg [dreg:$0x1];
	p0 =	sne.s32 s2, $0x0  }
0x57: {  	s3 =	rddreg [dreg:$0x2];
	[bflag:$0x3] =	sbarrier.arrive $0xFFFF;
	s2 =	simm.s32 @!p0 $0x1C07  }
0x58: {  	[timem:s3], [sflag:s2] =	dma.local @!p0 [hbm:s0], s1  }
0x59: {  	s0 =	simm.s32 @!p0 $0x7  }
0x5a: {  	_ =	swait.ge @!p0 [sflag:s0], s1  }
0x5b: {  	s1 =	ssub.s32 @!p0 $0x0, s1;
	[sflag:s0] =	ssyncset.done @!p0 $0x0  }
0x5c: {  	[sflag:s0] =	ssyncadd.s32 @!p0 s1  }
0x5d: {  	[bflag:$0x3] =	sbarrier.arrive $0xFFFF  }
0x5e: {  	_ =	shalt  }

</sc_bundles>
